<compile_context>
chip_gen: v7x
topology: tpu7x:2x2x1
jax: 0.10.2.dev20260603
libtpu: 0.0.44.dev20260713+nightly
codegen_flags: <defaults>
</compile_context>

<pallas_src>
import functools
import jax
import jax.numpy as jnp
import numpy as np
from jax import lax
from jax.experimental import pallas as pl
from jax.experimental.pallas import tpu as pltpu
from jax.experimental.pallas import tpu_sc as plsc

_B, _N, _CIN, _COUT = 2, 2048, 128, 256
_K_EDGE, _K_PT, _HEADS = 20, 16, 4
_DPH = _COUT // _HEADS
_RB = 256
_FB = 128
_NEG = -3.0e38
_WCOLS = 4 * _COUT + 8
_WPAD = 1152
_CH = 128


def _pack_bf(t):
    u = lax.bitcast_convert_type(
        t.astype(jnp.bfloat16), jnp.uint16).astype(jnp.uint32)
    packed = (u[:, 128:] << 16) | u[:, :128]
    return lax.bitcast_convert_type(packed, jnp.int32)


def _unpack_bf(p):
    lo = lax.bitcast_convert_type(p << 16, jnp.float32)
    hi = lax.bitcast_convert_type(p & jnp.int32(-65536), jnp.float32)
    return jnp.concatenate([lo, hi], axis=1)


def _topk_extract(pd_scr, width, k, boff, rb):
    iot = lax.broadcasted_iota(jnp.int32, (rb, _N), 1)
    lanek = lax.broadcasted_iota(jnp.int32, (rb, width), 1)

    def body(kk, acc):
        pdc = pd_scr[...]
        m = jnp.max(pdc, axis=1, keepdims=True)
        eq = pdc == m
        cand = jnp.where(eq, iot, _N)
        j = jnp.min(cand, axis=1, keepdims=True)
        acc = jnp.where(lanek == kk, j + boff, acc)
        pd_scr[...] = jnp.where(iot == j, _NEG, pdc)
        return acc

    acc0 = jnp.zeros((rb, width), jnp.int32)
    return lax.fori_loop(0, k, body, acc0)


def _prep1_body(xrow_ref, posrow_ref, posT_ref, wbig_ref, bbig_ref,
                vtab_ref, atab_ref, cetab_ref, sctab_ref, ptab_ref, ctab_ref,
                idxp_ref, pd_scr):
    b = pl.program_id(0)
    boff = b * _N
    x = xrow_ref[...]
    feats = jnp.dot(x, wbig_ref[...],
                    preferred_element_type=jnp.float32) + bbig_ref[...]
    posr = posrow_ref[...]
    qk = feats[:, 1024:1032]
    vtab_ref[...] = feats[:, 0:256]
    atab_ref[...] = feats[:, 256:512]
    cetab_ref[...] = feats[:, 512:768]
    sctab_ref[...] = feats[:, 768:1024]
    ptab_ref[...] = jnp.concatenate(
        [posr[:, 0:3], qk[:, 4:8], jnp.zeros((_RB, 1), jnp.float32)], axis=1)
    ctab_ref[...] = jnp.concatenate(
        [posr[:, 0:3], qk[:, 0:4], jnp.zeros((_RB, 1), jnp.float32)], axis=1)

    posT = posT_ref[0]
    gp = jnp.dot(posr, posT, preferred_element_type=jnp.float32)
    prow = jnp.sum(posr * posr, axis=1, keepdims=True)
    pcol = jnp.sum(posT * posT, axis=0, keepdims=True)
    pd_scr[...] = 2.0 * gp - prow - pcol
    idxp_ref[...] = _topk_extract(pd_scr, _K_PT, _K_PT, boff, _RB)


def _prep1_call(xflat, pospad, posT, wbig, bbig):
    nblk = _N // _RB
    grid = (_B, nblk)

    def rowmap(b, i):
        return (b * nblk + i, 0)

    outs = [
        jax.ShapeDtypeStruct((_B * _N, _COUT), jnp.float32),
        jax.ShapeDtypeStruct((_B * _N, _COUT), jnp.float32),
        jax.ShapeDtypeStruct((_B * _N, _COUT), jnp.float32),
        jax.ShapeDtypeStruct((_B * _N, _COUT), jnp.float32),
        jax.ShapeDtypeStruct((_B * _N, 8), jnp.float32),
        jax.ShapeDtypeStruct((_B * _N, 8), jnp.float32),
        jax.ShapeDtypeStruct((_B * _N, _K_PT), jnp.int32),
    ]
    in_specs = [
        pl.BlockSpec((_RB, _CIN), rowmap),
        pl.BlockSpec((_RB, 8), rowmap),
        pl.BlockSpec((1, 8, _N), lambda b, i: (b, 0, 0)),
        pl.BlockSpec((_CIN, _WPAD), lambda b, i: (0, 0)),
        pl.BlockSpec((1, _WPAD), lambda b, i: (0, 0)),
    ]
    out_specs = [
        pl.BlockSpec((_RB, _COUT), rowmap),
        pl.BlockSpec((_RB, _COUT), rowmap),
        pl.BlockSpec((_RB, _COUT), rowmap),
        pl.BlockSpec((_RB, _COUT), rowmap),
        pl.BlockSpec((_RB, 8), rowmap),
        pl.BlockSpec((_RB, 8), rowmap),
        pl.BlockSpec((_RB, _K_PT), rowmap),
    ]
    return pl.pallas_call(
        _prep1_body,
        grid=grid,
        in_specs=in_specs,
        out_specs=out_specs,
        out_shape=outs,
        scratch_shapes=[pltpu.VMEM((_RB, _N), jnp.float32)],
    )(xflat, pospad, posT, wbig, bbig)


def _prep2_body(xrow_ref, xT_ref, idxe_ref, pd_scr):
    b = pl.program_id(0)
    boff = b * _N
    x = xrow_ref[...]
    xT = xT_ref[0]
    gx = jnp.dot(x, xT, preferred_element_type=jnp.float32)
    xrow2 = jnp.sum(x * x, axis=1, keepdims=True)
    xcol2 = jnp.sum(xT * xT, axis=0, keepdims=True)
    pd_scr[...] = 2.0 * gx - xrow2 - xcol2
    idxe_ref[...] = _topk_extract(pd_scr, _K_EDGE, _K_EDGE, boff, _RB)


def _prep2_call(xflat, xT):
    nblk = _N // _RB
    grid = (_B, nblk)

    def rowmap(b, i):
        return (b * nblk + i, 0)

    return pl.pallas_call(
        _prep2_body,
        grid=grid,
        in_specs=[
            pl.BlockSpec((_RB, _CIN), rowmap),
            pl.BlockSpec((1, _CIN, _N), lambda b, i: (b, 0, 0)),
        ],
        out_specs=pl.BlockSpec((_RB, _K_EDGE), rowmap),
        out_shape=jax.ShapeDtypeStruct((_B * _N, _K_EDGE), jnp.int32),
        scratch_shapes=[pltpu.VMEM((_RB, _N), jnp.float32)],
    )(xflat, xT)


def _gather1_call(vtab_bf, ptab8, idxp_flat):
    info = plsc.get_sparse_core_info()
    nc = info.num_cores
    nw = nc * info.num_subcores
    npt = _B * _N * _K_PT
    ppw = npt // nw
    mesh = plsc.VectorSubcoreMesh(core_axis_name="c", subcore_axis_name="s")

    @functools.partial(
        pl.kernel, mesh=mesh,
        out_type=[
            jax.ShapeDtypeStruct((npt, 128), jnp.int32),
            jax.ShapeDtypeStruct((npt, 128), jnp.float32),
        ],
        scratch_types=[
            pltpu.VMEM((ppw,), jnp.int32),
            pltpu.VMEM((_CH, 128), jnp.int32),
            pltpu.VMEM((_CH, 128), jnp.float32),
            pltpu.SemaphoreType.DMA,
            pltpu.SemaphoreType.DMA,
        ],
    )
    def k(vtab_h, ptab_h, idxp_h, vg_h, pg_h, idxall, bufv, bufp, sem, sem2):
        wid = lax.axis_index("s") * nc + lax.axis_index("c")
        base = wid * ppw
        pltpu.sync_copy(idxp_h.at[pl.ds(base, ppw)], idxall)

        def body_p(i, c):
            off = base + i * _CH
            idxs = idxall.at[pl.ds(i * _CH, _CH)]
            cpv = pltpu.async_copy(vtab_h.at[idxs], bufv, sem)
            cpp = pltpu.async_copy(ptab_h.at[idxs], bufp, sem2)
            cpv.wait()
            pltpu.sync_copy(bufv, vg_h.at[pl.ds(off, _CH)])
            cpp.wait()
            pltpu.sync_copy(bufp, pg_h.at[pl.ds(off, _CH)])
            return c

        lax.fori_loop(0, ppw // _CH, body_p, 0)

    return k(vtab_bf, ptab8, idxp_flat)


def _gather2_call(atab_bf, idxe_flat):
    info = plsc.get_sparse_core_info()
    nc = info.num_cores
    nw = nc * info.num_subcores
    ned = _B * _N * _K_EDGE
    epw = ned // nw
    mesh = plsc.VectorSubcoreMesh(core_axis_name="c", subcore_axis_name="s")

    @functools.partial(
        pl.kernel, mesh=mesh,
        out_type=jax.ShapeDtypeStruct((ned, 128), jnp.int32),
        scratch_types=[
            pltpu.VMEM((epw,), jnp.int32),
            pltpu.VMEM((_CH, 128), jnp.int32),
            pltpu.VMEM((_CH, 128), jnp.int32),
            pltpu.SemaphoreType.DMA,
            pltpu.SemaphoreType.DMA,
        ],
    )
    def k(atab_h, idxe_h, ag_h, idxall, bufa, bufb, sem, sem2):
        wid = lax.axis_index("s") * nc + lax.axis_index("c")
        base = wid * epw
        pltpu.sync_copy(idxe_h.at[pl.ds(base, epw)], idxall)

        def body_e(i2, c):
            i = i2 * 2
            off = base + i * _CH
            cpa = pltpu.async_copy(
                atab_h.at[idxall.at[pl.ds(i * _CH, _CH)]], bufa, sem)
            cpb = pltpu.async_copy(
                atab_h.at[idxall.at[pl.ds((i + 1) * _CH, _CH)]], bufb, sem2)
            cpa.wait()
            pltpu.sync_copy(bufa, ag_h.at[pl.ds(off, _CH)])
            cpb.wait()
            pltpu.sync_copy(bufb, ag_h.at[pl.ds(off + _CH, _CH)])
            return c

        lax.fori_loop(0, epw // (2 * _CH), body_e, 0)

    return k(atab_bf, idxe_flat)


def _finish1_body(vg_ref, pg_ref, ctab_ref, sctab_ref,
                  wp1_ref, bp1_ref, mpe_ref, wp2t_ref, wa_ref,
                  k0_ref, part_ref):
    fb = _FB
    vg = _unpack_bf(vg_ref[...])
    ct = ctab_ref[...]
    ctt = jnp.reshape(
        jnp.broadcast_to(ct[:, None, :], (fb, _K_PT, 8)), (fb * _K_PT, 8))
    d = ctt - pg_ref[...][:, 0:8]
    hid = jnp.maximum(
        jnp.dot(d, wp1_ref[...], preferred_element_type=jnp.float32)
        + bp1_ref[...], 0.0)
    pem = jnp.dot(hid, mpe_ref[...],
                  preferred_element_type=jnp.float32)
    lg = d[:, 3:7] + pem[:, 0:4]

    t = jnp.reshape(lg, (fb, _K_PT, _HEADS))
    m = jnp.max(t, axis=1, keepdims=True)
    e = jnp.exp(t - m)
    s = jnp.sum(e, axis=1, keepdims=True)
    a4 = jnp.reshape(e / s, (fb * _K_PT, _HEADS))
    hagg = []
    for h in range(_HEADS):
        af = a4[:, h:h + 1]
        hh = jnp.reshape(af * hid, (fb, _K_PT, _COUT)).sum(axis=1)
        hagg.append(hh)
    w = jnp.concatenate(
        [jnp.broadcast_to(a4[:, h:h + 1], (fb * _K_PT, _DPH))
         for h in range(_HEADS)], axis=1)
    vagg = jnp.reshape(w * vg, (fb, _K_PT, _COUT)).sum(axis=1)
    wp2t = wp2t_ref[...]
    pe_parts = [
        jnp.dot(hagg[h], wp2t[:, h * _DPH:(h + 1) * _DPH],
                preferred_element_type=jnp.float32)
        for h in range(_HEADS)
    ]
    peagg = jnp.concatenate(pe_parts, axis=1)
    aggnb = vagg + peagg
    part_ref[...] = (sctab_ref[...]
                     + jnp.dot(aggnb, wa_ref[...],
                               preferred_element_type=jnp.float32)
                     + k0_ref[...])


def _finish1_call(vg, pg8, ctab8, sctab, wp1, bp1, mpe, wp2t, wa, k0):
    grid = (_B * _N // _FB,)
    full = lambda shape: pl.BlockSpec(shape, lambda i: tuple(0 for _ in shape))
    in_specs = [
        pl.BlockSpec((_FB * _K_PT, 128), lambda i: (i, 0)),
        pl.BlockSpec((_FB * _K_PT, 128), lambda i: (i, 0)),
        pl.BlockSpec((_FB, 8), lambda i: (i, 0)),
        pl.BlockSpec((_FB, _COUT), lambda i: (i, 0)),
        full((8, _COUT)),
        full((1, _COUT)),
        full((_COUT, 8)),
        full((_COUT, _COUT)),
        full((_COUT, _COUT)),
        full((1, _COUT)),
    ]
    return pl.pallas_call(
        _finish1_body,
        grid=grid,
        in_specs=in_specs,
        out_specs=pl.BlockSpec((_FB, _COUT), lambda i: (i, 0)),
        out_shape=jax.ShapeDtypeStruct((_B * _N, _COUT), jnp.float32),
    )(vg, pg8, ctab8, sctab, wp1, bp1, mpe, wp2t, wa, k0)


def _finish2_body(ag_ref, cetab_ref, part_ref, wb_ref, lng_ref, lnb_ref,
                  out_ref):
    fb = _FB
    ag = _unpack_bf(ag_ref[...])
    ce = cetab_ref[...]
    cet = jnp.reshape(
        jnp.broadcast_to(ce[:, None, :], (fb, _K_EDGE, _COUT)),
        (fb * _K_EDGE, _COUT))
    y = ag + cet
    mu = jnp.mean(y, axis=1, keepdims=True)
    yc = y - mu
    var = jnp.mean(yc * yc, axis=1, keepdims=True)
    yn = yc * lax.rsqrt(var + 1e-5) * lng_ref[...] + lnb_ref[...]
    yl = jnp.where(yn >= 0, yn, 0.2 * yn)
    ec = jnp.reshape(yl, (fb, _K_EDGE, _COUT)).max(axis=1)
    out_ref[...] = part_ref[...] + jnp.dot(
        ec, wb_ref[...], preferred_element_type=jnp.float32)


def _finish2_call(ag, cetab, part, wb, lng, lnb):
    grid = (_B * _N // _FB,)
    full = lambda shape: pl.BlockSpec(shape, lambda i: tuple(0 for _ in shape))
    in_specs = [
        pl.BlockSpec((_FB * _K_EDGE, 128), lambda i: (i, 0)),
        pl.BlockSpec((_FB, _COUT), lambda i: (i, 0)),
        pl.BlockSpec((_FB, _COUT), lambda i: (i, 0)),
        full((_COUT, _COUT)),
        full((1, _COUT)),
        full((1, _COUT)),
    ]
    return pl.pallas_call(
        _finish2_body,
        grid=grid,
        in_specs=in_specs,
        out_specs=pl.BlockSpec((_FB, _COUT), lambda i: (i, 0)),
        out_shape=jax.ShapeDtypeStruct((_B * _N, _COUT), jnp.float32),
    )(ag, cetab, part, wb, lng, lnb)


def kernel(x, pos, W_conv, ln_g, ln_b, Wq, bq, Wk, bk, Wv, bv, Wp1, bp1,
           Wp2, bp2, Wfc, bfc, Wsc, bsc, Wproj, bproj):
    f32 = jnp.float32
    mhead = np.zeros((_COUT, _HEADS), np.float32)
    for h in range(_HEADS):
        mhead[h * _DPH:(h + 1) * _DPH, h] = 1.0 / _DPH
    mhead = jnp.asarray(mhead)
    w1 = W_conv[:, :_CIN]
    w2 = W_conv[:, _CIN:]
    wprojA = Wproj[:, :_COUT]
    wprojB = Wproj[:, _COUT:]
    wa = Wfc.T @ wprojA.T
    wb = wprojB.T
    wsc2 = Wsc.T @ wprojA.T
    bp2m = bp2 @ mhead
    k0 = (bsc @ wprojA.T + bfc @ wprojA.T + bp2 @ wa + bproj)[None, :]
    wbig = jnp.zeros((_CIN, _WPAD), f32)
    wbig = wbig.at[:, 0:256].set(Wv.T)
    wbig = wbig.at[:, 256:512].set(w1.T)
    wbig = wbig.at[:, 512:768].set((w2 - w1).T)
    wbig = wbig.at[:, 768:1024].set(wsc2)
    wbig = wbig.at[:, 1024:1028].set(Wq.T @ mhead)
    wbig = wbig.at[:, 1028:1032].set(Wk.T @ mhead)
    bbig = jnp.zeros((1, _WPAD), f32)
    bbig = bbig.at[0, 0:256].set(bv)
    bbig = bbig.at[0, 1024:1028].set(bq @ mhead + bp2m)
    bbig = bbig.at[0, 1028:1032].set(bk @ mhead)

    mpe = jnp.zeros((_COUT, 8), f32).at[:, 0:4].set(Wp2.T @ mhead)
    wp1p = jnp.zeros((8, _COUT), f32).at[0:3, :].set(Wp1.T)

    xflat = x.reshape(_B * _N, _CIN)
    xT = jnp.transpose(x, (0, 2, 1))
    pospad = jnp.concatenate(
        [pos, jnp.zeros((_B, _N, 5), f32)], axis=-1).reshape(_B * _N, 8)
    posT = jnp.transpose(
        jnp.concatenate([pos, jnp.zeros((_B, _N, 5), f32)], axis=-1),
        (0, 2, 1))

    (vtab, atab, cetab, sctab, ptab8, ctab8, idxp) = _prep1_call(
        xflat, pospad, posT, wbig, bbig)
    idxe = _prep2_call(xflat, xT)

    vtab_pk = _pack_bf(vtab)
    atab_pk = _pack_bf(atab)
    ptab128 = jnp.pad(ptab8, ((0, 0), (0, 120)))

    vg, pg8 = _gather1_call(vtab_pk, ptab128, idxp.reshape(-1))
    ag = _gather2_call(atab_pk, idxe.reshape(-1))

    part = _finish1_call(vg, pg8, ctab8, sctab,
                         wp1p, bp1[None, :], mpe, Wp2.T, wa, k0)
    out = _finish2_call(ag, cetab, part, wb, ln_g[None, :], ln_b[None, :])
    return out.reshape(_B, _N, _COUT)

# --- scband reference (transcript-rebuilt; emitter-appended) ---
"""Pipeline reference for scband-hybrid-layer-29970281791921 (READ-ONLY COPY).

The authoritative reference and input builder live on the scoring server;
editing this copy changes nothing except your own understanding.
"""

import jax, jax.numpy as jnp
import numpy as np

B, N, CIN, COUT = 2, 2048, 128, 256
K_EDGE, K_PT, HEADS = 20, 16, 4
DPH = COUT // HEADS

def knn(x, k):
    xp = jnp.transpose(x, (0, 2, 1))
    inner = -2.0 * jnp.einsum('bnc,bcm->bnm', xp, x)
    xx = jnp.sum(x * x, axis=1, keepdims=True)
    pd = -xx - inner - jnp.transpose(xx, (0, 2, 1))
    return jax.lax.top_k(pd, k)[1]

def index_points(points, idx):
    b = jnp.arange(points.shape[0])[:, None, None]
    return points[b, idx]

def leaky_relu(x, slope=0.2):
    return jnp.where(x >= 0, x, slope * x)

def layer_norm(x, g, b, eps=1e-5):
    mu = jnp.mean(x, axis=-1, keepdims=True)
    var = jnp.mean((x - mu) ** 2, axis=-1, keepdims=True)
    return (x - mu) / jnp.sqrt(var + eps) * g + b

def setup_inputs(seed: int = 0):
    key = jax.random.key(seed)
    ks = jax.random.split(key, 24)
    def w(i, shape, fan_in):
        return jax.random.normal(ks[i], shape, dtype=jnp.float32) * (1.0 / np.sqrt(fan_in))
    inp = {}
    inp['x'] = jax.random.normal(ks[0], (B, N, CIN), dtype=jnp.float32)
    inp['pos'] = jax.random.normal(ks[1], (B, N, 3), dtype=jnp.float32)
    inp['W_conv'] = w(2, (COUT, 2 * CIN), 2 * CIN)
    inp['ln_g'] = jnp.ones((COUT,), jnp.float32)
    inp['ln_b'] = jnp.zeros((COUT,), jnp.float32)
    inp['Wq'] = w(3, (COUT, CIN), CIN)
    inp['bq'] = jnp.zeros((COUT,), jnp.float32)
    inp['Wk'] = w(4, (COUT, CIN), CIN)
    inp['bk'] = jnp.zeros((COUT,), jnp.float32)
    inp['Wv'] = w(5, (COUT, CIN), CIN)
    inp['bv'] = jnp.zeros((COUT,), jnp.float32)
    inp['Wp1'] = w(6, (COUT, 3), 3)
    inp['bp1'] = jnp.zeros((COUT,), jnp.float32)
    inp['Wp2'] = w(7, (COUT, COUT), COUT)
    inp['bp2'] = jnp.zeros((COUT,), jnp.float32)
    inp['Wfc'] = w(8, (COUT, COUT), COUT)
    inp['bfc'] = jnp.zeros((COUT,), jnp.float32)
    inp['Wsc'] = w(9, (COUT, CIN), CIN)
    inp['bsc'] = jnp.zeros((COUT,), jnp.float32)
    inp['Wproj'] = w(10, (COUT, 2 * COUT), 2 * COUT)
    inp['bproj'] = jnp.zeros((COUT,), jnp.float32)
    return inp

def reference(x, pos, W_conv, ln_g, ln_b, Wq, bq, Wk, bk, Wv, bv, Wp1, bp1, Wp2, bp2, Wfc, bfc, Wsc, bsc, Wproj, bproj):
    # PointTransformer branch
    idx = knn(jnp.transpose(pos, (0, 2, 1)), K_PT)
    x_nb = index_points(x, idx)
    pos_nb = index_points(pos, idx)
    pos_diff = pos[:, :, None, :] - pos_nb
    pos_enc = jax.nn.relu(pos_diff @ Wp1.T + bp1) @ Wp2.T + bp2
    q = (x @ Wq.T + bq).reshape(B, N, HEADS, DPH)[:, :, :, None, :]
    kp = (x_nb @ Wk.T + bk).reshape(B, N, K_PT, HEADS, DPH).transpose(0, 1, 3, 2, 4)
    v = (x_nb @ Wv.T + bv).reshape(B, N, K_PT, HEADS, DPH).transpose(0, 1, 3, 2, 4)
    pe = pos_enc.reshape(B, N, K_PT, HEADS, DPH).transpose(0, 1, 3, 2, 4)
    attn = jax.nn.softmax(jnp.mean(q - kp + pe, axis=-1), axis=-1)
    agg = jnp.sum(attn[..., None] * (v + pe), axis=3).reshape(B, N, COUT)
    sc = x @ Wsc.T + bsc
    pt_out = sc + (agg @ Wfc.T + bfc)
    # EdgeConv branch (knn in feature space)
    idx2 = knn(jnp.transpose(x, (0, 2, 1)), K_EDGE)
    feat = index_points(x, idx2)
    xc = jnp.broadcast_to(x[:, :, None, :], (B, N, K_EDGE, CIN))
    edge = jnp.concatenate([feat - xc, xc], axis=-1)
    y = edge @ W_conv.T
    y = leaky_relu(layer_norm(y, ln_g, ln_b))
    ec_out = jnp.max(y, axis=2)
    out = jnp.concatenate([pt_out, ec_out], axis=-1) @ Wproj.T + bproj
    return out

if __name__ == "__main__":
    import jax
    _d = setup_inputs()
    print(jax.jit(kernel)(*tuple(_d.values())))

</pallas_src>

<mosaic_0001>
#map = affine_map<(d0, d1) -> (0, 0)>
#map1 = affine_map<(d0, d1) -> (0)>
module attributes {stable_mosaic.version = 14 : i64} {
  func.func @k(%arg0: i32, %arg1: i32, %arg2: memref<4096x128xi32, #tpu.memory_space<hbm>>, %arg3: memref<81920xi32, #tpu.memory_space<hbm>>, %arg4: memref<81920x128xi32, #tpu.memory_space<hbm>>, %arg5: memref<2560xi32, #tpu.memory_space<vmem>>, %arg6: memref<128x128xi32, #tpu.memory_space<vmem>>, %arg7: memref<128x128xi32, #tpu.memory_space<vmem>>, %arg8: memref<!tpu.dma_semaphore, #tpu.memory_space<semaphore_mem>>, %arg9: memref<!tpu.dma_semaphore, #tpu.memory_space<semaphore_mem>>) attributes {dimension_semantics = [#tpu.dimension_semantics<core_parallel>, #tpu.dimension_semantics<subcore_parallel>], iteration_bounds = array<i64: 2, 16>, scalar_prefetch = 0 : i64, scratch_operands = 5 : i64, tpu.core_type = #tpu.core_type<sc_vector_subcore>, window_params = [{transform_indices = #map}, {transform_indices = #map1}, {transform_indices = #map}]} {
    %mul3A = arith.constant 2 : i32
    %mul3A_0 = arith.muli %arg1, %mul3A : i32
    %add3A = arith.addi %mul3A_0, %arg0 : i32
    %mul3A_1 = arith.constant 2560 : i32
    %mul3A_2 = arith.muli %add3A, %mul3A_1 : i32
    "tpu.region"() ({
      %run_scoped3A = tpu.sem_alloc : memref<!tpu.dma_semaphore, #tpu.memory_space<semaphore_mem>>
      %dma_start3A = tpu.memref_slice %arg3[%mul3A_2] : memref<81920xi32, #tpu.memory_space<hbm>> -> memref<2560xi32, #tpu.memory_space<hbm>>
      %dma_start3A_8 = tpu.memref_slice %arg3[%mul3A_2] : memref<81920xi32, #tpu.memory_space<hbm>> -> memref<2560xi32, #tpu.memory_space<hbm>>
      tpu.enqueue_dma source(%dma_start3A_8 : memref<2560xi32, #tpu.memory_space<hbm>>) target(%arg5 : memref<2560xi32, #tpu.memory_space<vmem>>) target_semaphore(%run_scoped3A : memref<!tpu.dma_semaphore, #tpu.memory_space<semaphore_mem>>)
      %dma_wait3A = tpu.memref_slice %arg3[%mul3A_2] : memref<81920xi32, #tpu.memory_space<hbm>> -> memref<2560xi32, #tpu.memory_space<hbm>>
      %dma_wait3A_9 = tpu.memref_slice %arg3[%mul3A_2] : memref<81920xi32, #tpu.memory_space<hbm>> -> memref<2560xi32, #tpu.memory_space<hbm>>
      tpu.wait_dma2 semaphore(%run_scoped3A : memref<!tpu.dma_semaphore, #tpu.memory_space<semaphore_mem>>) src(%dma_wait3A_9 : memref<2560xi32, #tpu.memory_space<hbm>>) dst(%arg5 : memref<2560xi32, #tpu.memory_space<vmem>>)
      tpu.yield
    }) : () -> ()
    %scan3A = arith.constant 0 : i32
    %scan3A_3 = arith.constant 0 : i32
    %scan3A_4 = arith.constant 10 : i32
    %scan3A_5 = arith.addi %scan3A_3, %scan3A_4 : i32
    %scan3A_6 = arith.constant 1 : i32
    scf.for %scan3A_8 = %scan3A_3 to %scan3A_5 step %scan3A_6  : i32 {
      %mul3A_9 = arith.constant 2 : i32
      %mul3A_10 = arith.muli %scan3A_8, %mul3A_9 : i32
      %mul3A_11 = arith.constant 128 : i32
      %mul3A_12 = arith.muli %mul3A_10, %mul3A_11 : i32
      %add3A_13 = arith.addi %mul3A_2, %mul3A_12 : i32
      %mul3A_14 = arith.constant 128 : i32
      %mul3A_15 = arith.muli %mul3A_10, %mul3A_14 : i32
      %dma_start3A = tpu.memref_slice %arg5[%mul3A_15] : memref<2560xi32, #tpu.memory_space<vmem>> -> memref<128xi32, #tpu.memory_space<vmem>>
      %dma_start3A_16 = arith.constant 0 : i32
      %dma_start3A_17 = arith.constant 0 : i32
      %dma_start3A_18 = tpu.memref_slice %arg2[%dma_start3A_16, %dma_start3A_17] : memref<4096x128xi32, #tpu.memory_space<hbm>> -> memref<4096x128xi32, #tpu.memory_space<hbm>>
      tpu.enqueue_indirect_dma source(%dma_start3A_18 : memref<4096x128xi32, #tpu.memory_space<hbm>>) target(%arg6 : memref<128x128xi32, #tpu.memory_space<vmem>>) offsets(%dma_start3A : memref<128xi32, #tpu.memory_space<vmem>>) semaphore(%arg8 : memref<!tpu.dma_semaphore, #tpu.memory_space<semaphore_mem>>)
      %add3A_19 = arith.constant 1 : i32
      %add3A_20 = arith.addi %mul3A_10, %add3A_19 : i32
      %mul3A_21 = arith.constant 128 : i32
      %mul3A_22 = arith.muli %add3A_20, %mul3A_21 : i32
      %dma_start3A_23 = tpu.memref_slice %arg5[%mul3A_22] : memref<2560xi32, #tpu.memory_space<vmem>> -> memref<128xi32, #tpu.memory_space<vmem>>
      %dma_start3A_24 = arith.constant 0 : i32
      %dma_start3A_25 = arith.constant 0 : i32
      %dma_start3A_26 = tpu.memref_slice %arg2[%dma_start3A_24, %dma_start3A_25] : memref<4096x128xi32, #tpu.memory_space<hbm>> -> memref<4096x128xi32, #tpu.memory_space<hbm>>
      tpu.enqueue_indirect_dma source(%dma_start3A_26 : memref<4096x128xi32, #tpu.memory_space<hbm>>) target(%arg7 : memref<128x128xi32, #tpu.memory_space<vmem>>) offsets(%dma_start3A_23 : memref<128xi32, #tpu.memory_space<vmem>>) semaphore(%arg9 : memref<!tpu.dma_semaphore, #tpu.memory_space<semaphore_mem>>)
      %dma_wait3A = tpu.memref_slice %arg5[%mul3A_15] : memref<2560xi32, #tpu.memory_space<vmem>> -> memref<128xi32, #tpu.memory_space<vmem>>
      %dma_wait3A_27 = arith.constant 0 : i32
      %dma_wait3A_28 = arith.constant 0 : i32
      %dma_wait3A_29 = tpu.memref_slice %arg2[%dma_wait3A_27, %dma_wait3A_28] : memref<4096x128xi32, #tpu.memory_space<hbm>> -> memref<4096x128xi32, #tpu.memory_space<hbm>>
      tpu.wait_indirect_dma semaphore(%arg8 : memref<!tpu.dma_semaphore, #tpu.memory_space<semaphore_mem>>) src(%dma_wait3A_29 : memref<4096x128xi32, #tpu.memory_space<hbm>>) dst(%arg6 : memref<128x128xi32, #tpu.memory_space<vmem>>)
      "tpu.region"() ({
        %run_scoped3A = tpu.sem_alloc : memref<!tpu.dma_semaphore, #tpu.memory_space<semaphore_mem>>
        %dma_start3A_36 = arith.constant 0 : i32
        %dma_start3A_37 = tpu.memref_slice %arg4[%add3A_13, %dma_start3A_36] : memref<81920x128xi32, #tpu.memory_space<hbm>> -> memref<128x128xi32, #tpu.memory_space<hbm>>
        %dma_start3A_38 = arith.constant 0 : i32
        %dma_start3A_39 = tpu.memref_slice %arg4[%add3A_13, %dma_start3A_38] : memref<81920x128xi32, #tpu.memory_space<hbm>> -> memref<128x128xi32, #tpu.memory_space<hbm>>
        tpu.enqueue_dma source(%arg6 : memref<128x128xi32, #tpu.memory_space<vmem>>) target(%dma_start3A_39 : memref<128x128xi32, #tpu.memory_space<hbm>>) target_semaphore(%run_scoped3A : memref<!tpu.dma_semaphore, #tpu.memory_space<semaphore_mem>>)
        %dma_wait3A_40 = arith.constant 0 : i32
        %dma_wait3A_41 = tpu.memref_slice %arg4[%add3A_13, %dma_wait3A_40] : memref<81920x128xi32, #tpu.memory_space<hbm>> -> memref<128x128xi32, #tpu.memory_space<hbm>>
        %dma_wait3A_42 = arith.constant 0 : i32
        %dma_wait3A_43 = tpu.memref_slice %arg4[%add3A_13, %dma_wait3A_42] : memref<81920x128xi32, #tpu.memory_space<hbm>> -> memref<128x128xi32, #tpu.memory_space<hbm>>
        tpu.wait_dma2 semaphore(%run_scoped3A : memref<!tpu.dma_semaphore, #tpu.memory_space<semaphore_mem>>) src(%arg6 : memref<128x128xi32, #tpu.memory_space<vmem>>) dst(%dma_wait3A_43 : memref<128x128xi32, #tpu.memory_space<hbm>>)
        tpu.yield
      }) : () -> ()
      %dma_wait3A_30 = tpu.memref_slice %arg5[%mul3A_22] : memref<2560xi32, #tpu.memory_space<vmem>> -> memref<128xi32, #tpu.memory_space<vmem>>
      %dma_wait3A_31 = arith.constant 0 : i32
      %dma_wait3A_32 = arith.constant 0 : i32
      %dma_wait3A_33 = tpu.memref_slice %arg2[%dma_wait3A_31, %dma_wait3A_32] : memref<4096x128xi32, #tpu.memory_space<hbm>> -> memref<4096x128xi32, #tpu.memory_space<hbm>>
      tpu.wait_indirect_dma semaphore(%arg9 : memref<!tpu.dma_semaphore, #tpu.memory_space<semaphore_mem>>) src(%dma_wait3A_33 : memref<4096x128xi32, #tpu.memory_space<hbm>>) dst(%arg7 : memref<128x128xi32, #tpu.memory_space<vmem>>)
      %add3A_34 = arith.constant 128 : i32
      %add3A_35 = arith.addi %add3A_13, %add3A_34 : i32
      "tpu.region"() ({
        %run_scoped3A = tpu.sem_alloc : memref<!tpu.dma_semaphore, #tpu.memory_space<semaphore_mem>>
        %dma_start3A_36 = arith.constant 0 : i32
        %dma_start3A_37 = tpu.memref_slice %arg4[%add3A_35, %dma_start3A_36] : memref<81920x128xi32, #tpu.memory_space<hbm>> -> memref<128x128xi32, #tpu.memory_space<hbm>>
        %dma_start3A_38 = arith.constant 0 : i32
        %dma_start3A_39 = tpu.memref_slice %arg4[%add3A_35, %dma_start3A_38] : memref<81920x128xi32, #tpu.memory_space<hbm>> -> memref<128x128xi32, #tpu.memory_space<hbm>>
        tpu.enqueue_dma source(%arg7 : memref<128x128xi32, #tpu.memory_space<vmem>>) target(%dma_start3A_39 : memref<128x128xi32, #tpu.memory_space<hbm>>) target_semaphore(%run_scoped3A : memref<!tpu.dma_semaphore, #tpu.memory_space<semaphore_mem>>)
        %dma_wait3A_40 = arith.constant 0 : i32
        %dma_wait3A_41 = tpu.memref_slice %arg4[%add3A_35, %dma_wait3A_40] : memref<81920x128xi32, #tpu.memory_space<hbm>> -> memref<128x128xi32, #tpu.memory_space<hbm>>
        %dma_wait3A_42 = arith.constant 0 : i32
        %dma_wait3A_43 = tpu.memref_slice %arg4[%add3A_35, %dma_wait3A_42] : memref<81920x128xi32, #tpu.memory_space<hbm>> -> memref<128x128xi32, #tpu.memory_space<hbm>>
        tpu.wait_dma2 semaphore(%run_scoped3A : memref<!tpu.dma_semaphore, #tpu.memory_space<semaphore_mem>>) src(%arg7 : memref<128x128xi32, #tpu.memory_space<vmem>>) dst(%dma_wait3A_43 : memref<128x128xi32, #tpu.memory_space<hbm>>)
        tpu.yield
      }) : () -> ()
    }
    %scan3A_7 = arith.constant 10 : i32
    return
  }
}

#map = affine_map<(d0, d1) -> (0, 0)>
#map1 = affine_map<(d0, d1) -> (0)>
module attributes {stable_mosaic.version = 14 : i64} {
  func.func @k(%arg0: i32, %arg1: i32, %arg2: memref<4096x128xi32, #tpu.memory_space<hbm>>, %arg3: memref<4096x128xf32, #tpu.memory_space<hbm>>, %arg4: memref<65536xi32, #tpu.memory_space<hbm>>, %arg5: memref<65536x128xi32, #tpu.memory_space<hbm>>, %arg6: memref<65536x128xf32, #tpu.memory_space<hbm>>, %arg7: memref<2048xi32, #tpu.memory_space<vmem>>, %arg8: memref<128x128xi32, #tpu.memory_space<vmem>>, %arg9: memref<128x128xf32, #tpu.memory_space<vmem>>, %arg10: memref<!tpu.dma_semaphore, #tpu.memory_space<semaphore_mem>>, %arg11: memref<!tpu.dma_semaphore, #tpu.memory_space<semaphore_mem>>) attributes {dimension_semantics = [#tpu.dimension_semantics<core_parallel>, #tpu.dimension_semantics<subcore_parallel>], iteration_bounds = array<i64: 2, 16>, scalar_prefetch = 0 : i64, scratch_operands = 5 : i64, tpu.core_type = #tpu.core_type<sc_vector_subcore>, window_params = [{transform_indices = #map}, {transform_indices = #map}, {transform_indices = #map1}, {transform_indices = #map}, {transform_indices = #map}]} {
    %mul3A = arith.constant 2 : i32
    %mul3A_0 = arith.muli %arg1, %mul3A : i32
    %add3A = arith.addi %mul3A_0, %arg0 : i32
    %mul3A_1 = arith.constant 2048 : i32
    %mul3A_2 = arith.muli %add3A, %mul3A_1 : i32
    "tpu.region"() ({
      %run_scoped3A = tpu.sem_alloc : memref<!tpu.dma_semaphore, #tpu.memory_space<semaphore_mem>>
      %dma_start3A = tpu.memref_slice %arg4[%mul3A_2] : memref<65536xi32, #tpu.memory_space<hbm>> -> memref<2048xi32, #tpu.memory_space<hbm>>
      %dma_start3A_8 = tpu.memref_slice %arg4[%mul3A_2] : memref<65536xi32, #tpu.memory_space<hbm>> -> memref<2048xi32, #tpu.memory_space<hbm>>
      tpu.enqueue_dma source(%dma_start3A_8 : memref<2048xi32, #tpu.memory_space<hbm>>) target(%arg7 : memref<2048xi32, #tpu.memory_space<vmem>>) target_semaphore(%run_scoped3A : memref<!tpu.dma_semaphore, #tpu.memory_space<semaphore_mem>>)
      %dma_wait3A = tpu.memref_slice %arg4[%mul3A_2] : memref<65536xi32, #tpu.memory_space<hbm>> -> memref<2048xi32, #tpu.memory_space<hbm>>
      %dma_wait3A_9 = tpu.memref_slice %arg4[%mul3A_2] : memref<65536xi32, #tpu.memory_space<hbm>> -> memref<2048xi32, #tpu.memory_space<hbm>>
      tpu.wait_dma2 semaphore(%run_scoped3A : memref<!tpu.dma_semaphore, #tpu.memory_space<semaphore_mem>>) src(%dma_wait3A_9 : memref<2048xi32, #tpu.memory_space<hbm>>) dst(%arg7 : memref<2048xi32, #tpu.memory_space<vmem>>)
      tpu.yield
    }) : () -> ()
    %scan3A = arith.constant 0 : i32
    %scan3A_3 = arith.constant 0 : i32
    %scan3A_4 = arith.constant 16 : i32
    %scan3A_5 = arith.addi %scan3A_3, %scan3A_4 : i32
    %scan3A_6 = arith.constant 1 : i32
    scf.for %scan3A_8 = %scan3A_3 to %scan3A_5 step %scan3A_6  : i32 {
      %mul3A_9 = arith.constant 128 : i32
      %mul3A_10 = arith.muli %scan3A_8, %mul3A_9 : i32
      %add3A_11 = arith.addi %mul3A_2, %mul3A_10 : i32
      %mul3A_12 = arith.constant 128 : i32
      %mul3A_13 = arith.muli %scan3A_8, %mul3A_12 : i32
      %dma_start3A = tpu.memref_slice %arg7[%mul3A_13] : memref<2048xi32, #tpu.memory_space<vmem>> -> memref<128xi32, #tpu.memory_space<vmem>>
      %dma_start3A_14 = arith.constant 0 : i32
      %dma_start3A_15 = arith.constant 0 : i32
      %dma_start3A_16 = tpu.memref_slice %arg2[%dma_start3A_14, %dma_start3A_15] : memref<4096x128xi32, #tpu.memory_space<hbm>> -> memref<4096x128xi32, #tpu.memory_space<hbm>>
      tpu.enqueue_indirect_dma source(%dma_start3A_16 : memref<4096x128xi32, #tpu.memory_space<hbm>>) target(%arg8 : memref<128x128xi32, #tpu.memory_space<vmem>>) offsets(%dma_start3A : memref<128xi32, #tpu.memory_space<vmem>>) semaphore(%arg10 : memref<!tpu.dma_semaphore, #tpu.memory_space<semaphore_mem>>)
      %dma_start3A_17 = tpu.memref_slice %arg7[%mul3A_13] : memref<2048xi32, #tpu.memory_space<vmem>> -> memref<128xi32, #tpu.memory_space<vmem>>
      %dma_start3A_18 = arith.constant 0 : i32
      %dma_start3A_19 = arith.constant 0 : i32
      %dma_start3A_20 = tpu.memref_slice %arg3[%dma_start3A_18, %dma_start3A_19] : memref<4096x128xf32, #tpu.memory_space<hbm>> -> memref<4096x128xf32, #tpu.memory_space<hbm>>
      tpu.enqueue_indirect_dma source(%dma_start3A_20 : memref<4096x128xf32, #tpu.memory_space<hbm>>) target(%arg9 : memref<128x128xf32, #tpu.memory_space<vmem>>) offsets(%dma_start3A_17 : memref<128xi32, #tpu.memory_space<vmem>>) semaphore(%arg11 : memref<!tpu.dma_semaphore, #tpu.memory_space<semaphore_mem>>)
      %dma_wait3A = tpu.memref_slice %arg7[%mul3A_13] : memref<2048xi32, #tpu.memory_space<vmem>> -> memref<128xi32, #tpu.memory_space<vmem>>
      %dma_wait3A_21 = arith.constant 0 : i32
      %dma_wait3A_22 = arith.constant 0 : i32
      %dma_wait3A_23 = tpu.memref_slice %arg2[%dma_wait3A_21, %dma_wait3A_22] : memref<4096x128xi32, #tpu.memory_space<hbm>> -> memref<4096x128xi32, #tpu.memory_space<hbm>>
      tpu.wait_indirect_dma semaphore(%arg10 : memref<!tpu.dma_semaphore, #tpu.memory_space<semaphore_mem>>) src(%dma_wait3A_23 : memref<4096x128xi32, #tpu.memory_space<hbm>>) dst(%arg8 : memref<128x128xi32, #tpu.memory_space<vmem>>)
      "tpu.region"() ({
        %run_scoped3A = tpu.sem_alloc : memref<!tpu.dma_semaphore, #tpu.memory_space<semaphore_mem>>
        %dma_start3A_28 = arith.constant 0 : i32
        %dma_start3A_29 = tpu.memref_slice %arg5[%add3A_11, %dma_start3A_28] : memref<65536x128xi32, #tpu.memory_space<hbm>> -> memref<128x128xi32, #tpu.memory_space<hbm>>
        %dma_start3A_30 = arith.constant 0 : i32
        %dma_start3A_31 = tpu.memref_slice %arg5[%add3A_11, %dma_start3A_30] : memref<65536x128xi32, #tpu.memory_space<hbm>> -> memref<128x128xi32, #tpu.memory_space<hbm>>
        tpu.enqueue_dma source(%arg8 : memref<128x128xi32, #tpu.memory_space<vmem>>) target(%dma_start3A_31 : memref<128x128xi32, #tpu.memory_space<hbm>>) target_semaphore(%run_scoped3A : memref<!tpu.dma_semaphore, #tpu.memory_space<semaphore_mem>>)
        %dma_wait3A_32 = arith.constant 0 : i32
        %dma_wait3A_33 = tpu.memref_slice %arg5[%add3A_11, %dma_wait3A_32] : memref<65536x128xi32, #tpu.memory_space<hbm>> -> memref<128x128xi32, #tpu.memory_space<hbm>>
        %dma_wait3A_34 = arith.constant 0 : i32
        %dma_wait3A_35 = tpu.memref_slice %arg5[%add3A_11, %dma_wait3A_34] : memref<65536x128xi32, #tpu.memory_space<hbm>> -> memref<128x128xi32, #tpu.memory_space<hbm>>
        tpu.wait_dma2 semaphore(%run_scoped3A : memref<!tpu.dma_semaphore, #tpu.memory_space<semaphore_mem>>) src(%arg8 : memref<128x128xi32, #tpu.memory_space<vmem>>) dst(%dma_wait3A_35 : memref<128x128xi32, #tpu.memory_space<hbm>>)
        tpu.yield
      }) : () -> ()
      %dma_wait3A_24 = tpu.memref_slice %arg7[%mul3A_13] : memref<2048xi32, #tpu.memory_space<vmem>> -> memref<128xi32, #tpu.memory_space<vmem>>
      %dma_wait3A_25 = arith.constant 0 : i32
      %dma_wait3A_26 = arith.constant 0 : i32
      %dma_wait3A_27 = tpu.memref_slice %arg3[%dma_wait3A_25, %dma_wait3A_26] : memref<4096x128xf32, #tpu.memory_space<hbm>> -> memref<4096x128xf32, #tpu.memory_space<hbm>>
      tpu.wait_indirect_dma semaphore(%arg11 : memref<!tpu.dma_semaphore, #tpu.memory_space<semaphore_mem>>) src(%dma_wait3A_27 : memref<4096x128xf32, #tpu.memory_space<hbm>>) dst(%arg9 : memref<128x128xf32, #tpu.memory_space<vmem>>)
      "tpu.region"() ({
        %run_scoped3A = tpu.sem_alloc : memref<!tpu.dma_semaphore, #tpu.memory_space<semaphore_mem>>
        %dma_start3A_28 = arith.constant 0 : i32
        %dma_start3A_29 = tpu.memref_slice %arg6[%add3A_11, %dma_start3A_28] : memref<65536x128xf32, #tpu.memory_space<hbm>> -> memref<128x128xf32, #tpu.memory_space<hbm>>
        %dma_start3A_30 = arith.constant 0 : i32
        %dma_start3A_31 = tpu.memref_slice %arg6[%add3A_11, %dma_start3A_30] : memref<65536x128xf32, #tpu.memory_space<hbm>> -> memref<128x128xf32, #tpu.memory_space<hbm>>
        tpu.enqueue_dma source(%arg9 : memref<128x128xf32, #tpu.memory_space<vmem>>) target(%dma_start3A_31 : memref<128x128xf32, #tpu.memory_space<hbm>>) target_semaphore(%run_scoped3A : memref<!tpu.dma_semaphore, #tpu.memory_space<semaphore_mem>>)
        %dma_wait3A_32 = arith.constant 0 : i32
        %dma_wait3A_33 = tpu.memref_slice %arg6[%add3A_11, %dma_wait3A_32] : memref<65536x128xf32, #tpu.memory_space<hbm>> -> memref<128x128xf32, #tpu.memory_space<hbm>>
        %dma_wait3A_34 = arith.constant 0 : i32
        %dma_wait3A_35 = tpu.memref_slice %arg6[%add3A_11, %dma_wait3A_34] : memref<65536x128xf32, #tpu.memory_space<hbm>> -> memref<128x128xf32, #tpu.memory_space<hbm>>
        tpu.wait_dma2 semaphore(%run_scoped3A : memref<!tpu.dma_semaphore, #tpu.memory_space<semaphore_mem>>) src(%arg9 : memref<128x128xf32, #tpu.memory_space<vmem>>) dst(%dma_wait3A_35 : memref<128x128xf32, #tpu.memory_space<hbm>>)
        tpu.yield
      }) : () -> ()
    }
    %scan3A_7 = arith.constant 16 : i32
    return
  }
}

module attributes {stable_mosaic.version = 14 : i64} {
  func.func @_prep1_body(%arg0: i32, %arg1: i32, %arg2: memref<256x128xf32, #tpu.memory_space<vmem>>, %arg3: memref<256x8xf32, #tpu.memory_space<vmem>>, %arg4: memref<1x8x2048xf32, #tpu.memory_space<vmem>>, %arg5: memref<128x1152xf32, #tpu.memory_space<vmem>>, %arg6: memref<1x1152xf32, #tpu.memory_space<vmem>>, %arg7: memref<256x256xf32, #tpu.memory_space<vmem>>, %arg8: memref<256x256xf32, #tpu.memory_space<vmem>>, %arg9: memref<256x256xf32, #tpu.memory_space<vmem>>, %arg10: memref<256x256xf32, #tpu.memory_space<vmem>>, %arg11: memref<256x8xf32, #tpu.memory_space<vmem>>, %arg12: memref<256x8xf32, #tpu.memory_space<vmem>>, %arg13: memref<256x16xi32, #tpu.memory_space<vmem>>, %arg14: memref<256x2048xf32, #tpu.memory_space<vmem>>) attributes {dimension_semantics = [#tpu.dimension_semantics<arbitrary>, #tpu.dimension_semantics<arbitrary>], iteration_bounds = array<i64: 2, 8>, scalar_prefetch = 0 : i64, scratch_operands = 1 : i64, tpu.core_type = #tpu.core_type<tc>, window_params = [{transform_indices = @transform_0, window_bounds = array<i64: 256, 128>}, {transform_indices = @transform_1, window_bounds = array<i64: 256, 8>}, {transform_indices = @transform_2, window_bounds = array<i64: 1, 8, 2048>}, {pipeline_mode = #tpu.pipeline_mode<synchronous>, transform_indices = @transform_3, window_bounds = array<i64: 128, 1152>}, {pipeline_mode = #tpu.pipeline_mode<synchronous>, transform_indices = @transform_4, window_bounds = array<i64: 1, 1152>}, {transform_indices = @transform_5, window_bounds = array<i64: 256, 256>}, {transform_indices = @transform_6, window_bounds = array<i64: 256, 256>}, {transform_indices = @transform_7, window_bounds = array<i64: 256, 256>}, {transform_indices = @transform_8, window_bounds = array<i64: 256, 256>}, {transform_indices = @transform_9, window_bounds = array<i64: 256, 8>}, {transform_indices = @transform_10, window_bounds = array<i64: 256, 8>}, {transform_indices = @transform_11, window_bounds = array<i64: 256, 16>}]} {
    %mul3A = arith.constant 2048 : i32
    %mul3A_0 = arith.muli %arg0, %mul3A : i32
    %get3A = arith.constant 0 : index
    %get3A_1 = arith.constant 0 : index
    %get3A_2 = vector.load %arg2[%get3A, %get3A_1] : memref<256x128xf32, #tpu.memory_space<vmem>>, vector<256x128xf32>
    %get3A_3 = arith.constant 0 : index
    %get3A_4 = arith.constant 0 : index
    %get3A_5 = vector.load %arg5[%get3A_3, %get3A_4] : memref<128x1152xf32, #tpu.memory_space<vmem>>, vector<128x1152xf32>
    %dot_general3A = arith.constant dense<0.000000e+00> : vector<256x1152xf32>
    %dot_general3A_6 = tpu.matmul %get3A_2, %get3A_5, %dot_general3A {dimension_numbers = #tpu.dot_dimension_numbers<[1], [0], [0], [1], [0, 0, 1, 1], [], []>, transpose_lhs_hint = false} : vector<256x128xf32>, vector<128x1152xf32>, vector<256x1152xf32> -> vector<256x1152xf32>
    %get3A_7 = arith.constant 0 : index
    %get3A_8 = arith.constant 0 : index
    %get3A_9 = vector.load %arg6[%get3A_7, %get3A_8] : memref<1x1152xf32, #tpu.memory_space<vmem>>, vector<1x1152xf32>
    %add3A = vector.broadcast %get3A_9 : vector<1x1152xf32> to vector<256x1152xf32>
    %add3A_10 = arith.addf %dot_general3A_6, %add3A : vector<256x1152xf32>
    %get3A_11 = arith.constant 0 : index
    %get3A_12 = arith.constant 0 : index
    %get3A_13 = vector.load %arg3[%get3A_11, %get3A_12] : memref<256x8xf32, #tpu.memory_space<vmem>>, vector<256x8xf32>
    %slice3A = vector.extract_strided_slice %add3A_10 {offsets = [0, 1024], sizes = [256, 8], strides = [1, 1]} : vector<256x1152xf32> to vector<256x8xf32>
    %slice3A_14 = vector.extract_strided_slice %add3A_10 {offsets = [0, 0], sizes = [256, 256], strides = [1, 1]} : vector<256x1152xf32> to vector<256x256xf32>
    %swap3A = arith.constant 0 : index
    %swap3A_15 = arith.constant 0 : index
    %swap3A_16 = vector.load %arg7[%swap3A, %swap3A_15] : memref<256x256xf32, #tpu.memory_space<vmem>>, vector<256x256xf32>
    tpu.vector_store %arg7[%swap3A, %swap3A_15], %slice3A_14 {strides = array<i32>} : memref<256x256xf32, #tpu.memory_space<vmem>>, vector<256x256xf32>,
    %slice3A_17 = vector.extract_strided_slice %add3A_10 {offsets = [0, 256], sizes = [256, 256], strides = [1, 1]} : vector<256x1152xf32> to vector<256x256xf32>
    %swap3A_18 = arith.constant 0 : index
    %swap3A_19 = arith.constant 0 : index
    %swap3A_20 = vector.load %arg8[%swap3A_18, %swap3A_19] : memref<256x256xf32, #tpu.memory_space<vmem>>, vector<256x256xf32>
    tpu.vector_store %arg8[%swap3A_18, %swap3A_19], %slice3A_17 {strides = array<i32>} : memref<256x256xf32, #tpu.memory_space<vmem>>, vector<256x256xf32>,
    %slice3A_21 = vector.extract_strided_slice %add3A_10 {offsets = [0, 512], sizes = [256, 256], strides = [1, 1]} : vector<256x1152xf32> to vector<256x256xf32>
    %swap3A_22 = arith.constant 0 : index
    %swap3A_23 = arith.constant 0 : index
    %swap3A_24 = vector.load %arg9[%swap3A_22, %swap3A_23] : memref<256x256xf32, #tpu.memory_space<vmem>>, vector<256x256xf32>
    tpu.vector_store %arg9[%swap3A_22, %swap3A_23], %slice3A_21 {strides = array<i32>} : memref<256x256xf32, #tpu.memory_space<vmem>>, vector<256x256xf32>,
    %slice3A_25 = vector.extract_strided_slice %add3A_10 {offsets = [0, 768], sizes = [256, 256], strides = [1, 1]} : vector<256x1152xf32> to vector<256x256xf32>
    %swap3A_26 = arith.constant 0 : index
    %swap3A_27 = arith.constant 0 : index
    %swap3A_28 = vector.load %arg10[%swap3A_26, %swap3A_27] : memref<256x256xf32, #tpu.memory_space<vmem>>, vector<256x256xf32>
    tpu.vector_store %arg10[%swap3A_26, %swap3A_27], %slice3A_25 {strides = array<i32>} : memref<256x256xf32, #tpu.memory_space<vmem>>, vector<256x256xf32>,
    %slice3A_29 = vector.extract_strided_slice %get3A_13 {offsets = [0, 0], sizes = [256, 3], strides = [1, 1]} : vector<256x8xf32> to vector<256x3xf32>
    %slice3A_30 = vector.extract_strided_slice %slice3A {offsets = [0, 4], sizes = [256, 4], strides = [1, 1]} : vector<256x8xf32> to vector<256x4xf32>
    %broadcast_in_dim3A = arith.constant 0.000000e+00 : f32
    %broadcast_in_dim3A_31 = vector.broadcast %broadcast_in_dim3A : f32 to vector<256x1xf32>
    %concatenate3A = tpu.concatenate %slice3A_29, %slice3A_30, %broadcast_in_dim3A_31 in 1 : vector<256x3xf32>, vector<256x4xf32>, vector<256x1xf32> -> vector<256x8xf32>
    %swap3A_32 = arith.constant 0 : index
    %swap3A_33 = arith.constant 0 : index
    %swap3A_34 = vector.load %arg11[%swap3A_32, %swap3A_33] : memref<256x8xf32, #tpu.memory_space<vmem>>, vector<256x8xf32>
    tpu.vector_store %arg11[%swap3A_32, %swap3A_33], %concatenate3A {strides = array<i32>} : memref<256x8xf32, #tpu.memory_space<vmem>>, vector<256x8xf32>,
    %slice3A_35 = vector.extract_strided_slice %get3A_13 {offsets = [0, 0], sizes = [256, 3], strides = [1, 1]} : vector<256x8xf32> to vector<256x3xf32>
    %slice3A_36 = vector.extract_strided_slice %slice3A {offsets = [0, 0], sizes = [256, 4], strides = [1, 1]} : vector<256x8xf32> to vector<256x4xf32>
    %broadcast_in_dim3A_37 = arith.constant 0.000000e+00 : f32
    %broadcast_in_dim3A_38 = vector.broadcast %broadcast_in_dim3A_37 : f32 to vector<256x1xf32>
    %concatenate3A_39 = tpu.concatenate %slice3A_35, %slice3A_36, %broadcast_in_dim3A_38 in 1 : vector<256x3xf32>, vector<256x4xf32>, vector<256x1xf32> -> vector<256x8xf32>
    %swap3A_40 = arith.constant 0 : index
    %swap3A_41 = arith.constant 0 : index
    %swap3A_42 = vector.load %arg12[%swap3A_40, %swap3A_41] : memref<256x8xf32, #tpu.memory_space<vmem>>, vector<256x8xf32>
    tpu.vector_store %arg12[%swap3A_40, %swap3A_41], %concatenate3A_39 {strides = array<i32>} : memref<256x8xf32, #tpu.memory_space<vmem>>, vector<256x8xf32>,
    %get3A_43 = arith.constant 0 : index
    %get3A_44 = arith.constant 0 : index
    %get3A_45 = arith.constant 0 : index
    %get3A_46 = vector.load %arg4[%get3A_43, %get3A_44, %get3A_45] : memref<1x8x2048xf32, #tpu.memory_space<vmem>>, vector<1x8x2048xf32>
    %get3A_47 = vector.shape_cast %get3A_46 : vector<1x8x2048xf32> to vector<8x2048xf32>
    %dot_general3A_48 = arith.constant dense<0.000000e+00> : vector<256x2048xf32>
    %dot_general3A_49 = tpu.matmul %get3A_13, %get3A_47, %dot_general3A_48 {dimension_numbers = #tpu.dot_dimension_numbers<[1], [0], [0], [1], [0, 0, 1, 1], [], []>, transpose_lhs_hint = false} : vector<256x8xf32>, vector<8x2048xf32>, vector<256x2048xf32> -> vector<256x2048xf32>
    %mul3A_50 = arith.mulf %get3A_13, %get3A_13 : vector<256x8xf32>
    %reduce_sum3A = arith.constant dense<0.000000e+00> : vector<256xf32>
    %reduce_sum3A_51 = vector.multi_reduction <add>, %mul3A_50, %reduce_sum3A [1] : vector<256x8xf32> to vector<256xf32>
    %broadcast_in_dim3A_52 = vector.shape_cast %reduce_sum3A_51 : vector<256xf32> to vector<256x1xf32>
    %mul3A_53 = arith.mulf %get3A_47, %get3A_47 : vector<8x2048xf32>
    %reduce_sum3A_54 = arith.constant dense<0.000000e+00> : vector<2048xf32>
    %reduce_sum3A_55 = vector.multi_reduction <add>, %mul3A_53, %reduce_sum3A_54 [0] : vector<8x2048xf32> to vector<2048xf32>
    %broadcast_in_dim3A_56 = vector.shape_cast %reduce_sum3A_55 : vector<2048xf32> to vector<1x2048xf32>
    %mul3A_57 = arith.constant 2.000000e+00 : f32
    %mul3A_58 = vector.broadcast %mul3A_57 : f32 to vector<256x2048xf32>
    %mul3A_59 = arith.mulf %mul3A_58, %dot_general3A_49 : vector<256x2048xf32>
    %sub3A = vector.broadcast %broadcast_in_dim3A_52 : vector<256x1xf32> to vector<256x2048xf32>
    %sub3A_60 = arith.subf %mul3A_59, %sub3A : vector<256x2048xf32>
    %sub3A_61 = vector.broadcast %broadcast_in_dim3A_56 : vector<1x2048xf32> to vector<256x2048xf32>
    %sub3A_62 = arith.subf %sub3A_60, %sub3A_61 : vector<256x2048xf32>
    %swap3A_63 = arith.constant 0 : index
    %swap3A_64 = arith.constant 0 : index
    %swap3A_65 = vector.load %arg14[%swap3A_63, %swap3A_64] : memref<256x2048xf32, #tpu.memory_space<vmem>>, vector<256x2048xf32>
    tpu.vector_store %arg14[%swap3A_63, %swap3A_64], %sub3A_62 {strides = array<i32>} : memref<256x2048xf32, #tpu.memory_space<vmem>>, vector<256x2048xf32>,
    %iota3A = tpu.iota {dimensions = array<i32: 1>} : vector<256x2048xi32>
    %iota3A_66 = tpu.iota {dimensions = array<i32: 1>} : vector<256x16xi32>
    %broadcast_in_dim3A_67 = arith.constant 0 : i32
    %broadcast_in_dim3A_68 = vector.broadcast %broadcast_in_dim3A_67 : i32 to vector<256x16xi32>
    %scan3A = arith.constant 0 : i32
    %scan3A_69 = arith.constant 16 : i32
    %scan3A_70 = arith.addi %scan3A, %scan3A_69 : i32
    %scan3A_71 = arith.constant 1 : i32
    %scan3A_72 = scf.for %scan3A_77 = %scan3A to %scan3A_70 step %scan3A_71 iter_args(%scan3A_78 = %broadcast_in_dim3A_68) -> (vector<256x16xi32>)  : i32 {
      %get3A_79 = arith.constant 0 : index
      %get3A_80 = arith.constant 0 : index
      %get3A_81 = vector.load %arg14[%get3A_79, %get3A_80] : memref<256x2048xf32, #tpu.memory_space<vmem>>, vector<256x2048xf32>
      %reduce_max3A = arith.constant dense<0xFF800000> : vector<256xf32>
      %reduce_max3A_82 = vector.multi_reduction <maximumf>, %get3A_81, %reduce_max3A [1] : vector<256x2048xf32> to vector<256xf32>
      %broadcast_in_dim3A_83 = vector.shape_cast %reduce_max3A_82 : vector<256xf32> to vector<256x1xf32>
      %eq3A = vector.broadcast %broadcast_in_dim3A_83 : vector<256x1xf32> to vector<256x2048xf32>
      %eq3A_84 = arith.cmpf oeq, %get3A_81, %eq3A : vector<256x2048xf32>
      %jit3A = arith.constant 2048 : i32
      %broadcast_in_dim3A_85 = vector.broadcast %jit3A : i32 to vector<256x2048xi32>
      %select_n3A = arith.select %eq3A_84, %iota3A, %broadcast_in_dim3A_85 : vector<256x2048xi1>, vector<256x2048xi32>
      %reduce_min3A = arith.constant dense<2147483647> : vector<256xi32>
      %reduce_min3A_86 = vector.multi_reduction <minsi>, %select_n3A, %reduce_min3A [1] : vector<256x2048xi32> to vector<256xi32>
      %broadcast_in_dim3A_87 = vector.shape_cast %reduce_min3A_86 : vector<256xi32> to vector<256x1xi32>
      %eq3A_88 = vector.broadcast %scan3A_77 : i32 to vector<256x16xi32>
      %eq3A_89 = arith.cmpi eq, %iota3A_66, %eq3A_88 : vector<256x16xi32>
      %add3A_90 = vector.broadcast %mul3A_0 : i32 to vector<256x1xi32>
      %add3A_91 = arith.addi %broadcast_in_dim3A_87, %add3A_90 : vector<256x1xi32>
      %broadcast_in_dim3A_92 = vector.shape_cast %add3A_91 : vector<256x1xi32> to vector<256x1xi32>
      %broadcast_in_dim3A_93 = vector.broadcast %broadcast_in_dim3A_92 : vector<256x1xi32> to vector<256x16xi32>
      %select_n3A_94 = arith.select %eq3A_89, %broadcast_in_dim3A_93, %scan3A_78 : vector<256x16xi1>, vector<256x16xi32>
      %eq3A_95 = vector.broadcast %broadcast_in_dim3A_87 : vector<256x1xi32> to vector<256x2048xi32>
      %eq3A_96 = arith.cmpi eq, %iota3A, %eq3A_95 : vector<256x2048xi32>
      %jit3A_97 = arith.constant -3.000000e+38 : f32
      %broadcast_in_dim3A_98 = vector.broadcast %jit3A_97 : f32 to vector<256x2048xf32>
      %select_n3A_99 = arith.select %eq3A_96, %broadcast_in_dim3A_98, %get3A_81 : vector<256x2048xi1>, vector<256x2048xf32>
      %swap3A_100 = arith.constant 0 : index
      %swap3A_101 = arith.constant 0 : index
      %swap3A_102 = vector.load %arg14[%swap3A_100, %swap3A_101] : memref<256x2048xf32, #tpu.memory_space<vmem>>, vector<256x2048xf32>
      tpu.vector_store %arg14[%swap3A_100, %swap3A_101], %select_n3A_99 {strides = array<i32>} : memref<256x2048xf32, #tpu.memory_space<vmem>>, vector<256x2048xf32>,
      scf.yield %select_n3A_94 : vector<256x16xi32>
    }
    %scan3A_73 = arith.constant 16 : i32
    %swap3A_74 = arith.constant 0 : index
    %swap3A_75 = arith.constant 0 : index
    %swap3A_76 = vector.load %arg13[%swap3A_74, %swap3A_75] : memref<256x16xi32, #tpu.memory_space<vmem>>, vector<256x16xi32>
    tpu.vector_store %arg13[%swap3A_74, %swap3A_75], %scan3A_72 {strides = array<i32>} : memref<256x16xi32, #tpu.memory_space<vmem>>, vector<256x16xi32>,
    return
  }
  func.func @transform_0(%arg0: i32, %arg1: i32) -> (i32, i32) {
    %mul3A = arith.constant 8 : i32
    %mul3A_0 = arith.muli %arg0, %mul3A : i32
    %add3A = arith.addi %mul3A_0, %arg1 : i32
    %c0_i32 = arith.constant 0 : i32
    %c0_i32_1 = arith.constant 0 : i32
    return %add3A, %c0_i32 : i32, i32
  }
  func.func @transform_1(%arg0: i32, %arg1: i32) -> (i32, i32) {
    %mul3A = arith.constant 8 : i32
    %mul3A_0 = arith.muli %arg0, %mul3A : i32
    %add3A = arith.addi %mul3A_0, %arg1 : i32
    %c0_i32 = arith.constant 0 : i32
    %c0_i32_1 = arith.constant 0 : i32
    return %add3A, %c0_i32 : i32, i32
  }
  func.func @transform_2(%arg0: i32, %arg1: i32) -> (i32, i32, i32) {
    %c0_i32 = arith.constant 0 : i32
    %c0_i32_0 = arith.constant 0 : i32
    %c0_i32_1 = arith.constant 0 : i32
    return %arg0, %c0_i32, %c0_i32_0 : i32, i32, i32
  }
  func.func @transform_3(%arg0: i32, %arg1: i32) -> (i32, i32) {
    %c0_i32 = arith.constant 0 : i32
    %c0_i32_0 = arith.constant 0 : i32
    %c0_i32_1 = arith.constant 0 : i32
    return %c0_i32, %c0_i32_0 : i32, i32
  }
  func.func @transform_4(%arg0: i32, %arg1: i32) -> (i32, i32) {
    %c0_i32 = arith.constant 0 : i32
    %c0_i32_0 = arith.constant 0 : i32
    %c0_i32_1 = arith.constant 0 : i32
    return %c0_i32, %c0_i32_0 : i32, i32
  }
  func.func @transform_5(%arg0: i32, %arg1: i32) -> (i32, i32) {
    %mul3A = arith.constant 8 : i32
    %mul3A_0 = arith.muli %arg0, %mul3A : i32
    %add3A = arith.addi %mul3A_0, %arg1 : i32
    %c0_i32 = arith.constant 0 : i32
    %c0_i32_1 = arith.constant 0 : i32
    return %add3A, %c0_i32 : i32, i32
  }
  func.func @transform_6(%arg0: i32, %arg1: i32) -> (i32, i32) {
    %mul3A = arith.constant 8 : i32
    %mul3A_0 = arith.muli %arg0, %mul3A : i32
    %add3A = arith.addi %mul3A_0, %arg1 : i32
    %c0_i32 = arith.constant 0 : i32
    %c0_i32_1 = arith.constant 0 : i32
    return %add3A, %c0_i32 : i32, i32
  }
  func.func @transform_7(%arg0: i32, %arg1: i32) -> (i32, i32) {
    %mul3A = arith.constant 8 : i32
    %mul3A_0 = arith.muli %arg0, %mul3A : i32
    %add3A = arith.addi %mul3A_0, %arg1 : i32
    %c0_i32 = arith.constant 0 : i32
    %c0_i32_1 = arith.constant 0 : i32
    return %add3A, %c0_i32 : i32, i32
  }
  func.func @transform_8(%arg0: i32, %arg1: i32) -> (i32, i32) {
    %mul3A = arith.constant 8 : i32
    %mul3A_0 = arith.muli %arg0, %mul3A : i32
    %add3A = arith.addi %mul3A_0, %arg1 : i32
    %c0_i32 = arith.constant 0 : i32
    %c0_i32_1 = arith.constant 0 : i32
    return %add3A, %c0_i32 : i32, i32
  }
  func.func @transform_9(%arg0: i32, %arg1: i32) -> (i32, i32) {
    %mul3A = arith.constant 8 : i32
    %mul3A_0 = arith.muli %arg0, %mul3A : i32
    %add3A = arith.addi %mul3A_0, %arg1 : i32
    %c0_i32 = arith.constant 0 : i32
    %c0_i32_1 = arith.constant 0 : i32
    return %add3A, %c0_i32 : i32, i32
  }
  func.func @transform_10(%arg0: i32, %arg1: i32) -> (i32, i32) {
    %mul3A = arith.constant 8 : i32
    %mul3A_0 = arith.muli %arg0, %mul3A : i32
    %add3A = arith.addi %mul3A_0, %arg1 : i32
    %c0_i32 = arith.constant 0 : i32
    %c0_i32_1 = arith.constant 0 : i32
    return %add3A, %c0_i32 : i32, i32
  }
  func.func @transform_11(%arg0: i32, %arg1: i32) -> (i32, i32) {
    %mul3A = arith.constant 8 : i32
    %mul3A_0 = arith.muli %arg0, %mul3A : i32
    %add3A = arith.addi %mul3A_0, %arg1 : i32
    %c0_i32 = arith.constant 0 : i32
    %c0_i32_1 = arith.constant 0 : i32
    return %add3A, %c0_i32 : i32, i32
  }
}

module attributes {stable_mosaic.version = 14 : i64} {
  func.func @_prep2_body(%arg0: i32, %arg1: i32, %arg2: memref<256x128xf32, #tpu.memory_space<vmem>>, %arg3: memref<1x128x2048xf32, #tpu.memory_space<vmem>>, %arg4: memref<256x20xi32, #tpu.memory_space<vmem>>, %arg5: memref<256x2048xf32, #tpu.memory_space<vmem>>) attributes {dimension_semantics = [#tpu.dimension_semantics<arbitrary>, #tpu.dimension_semantics<arbitrary>], iteration_bounds = array<i64: 2, 8>, scalar_prefetch = 0 : i64, scratch_operands = 1 : i64, tpu.core_type = #tpu.core_type<tc>, window_params = [{transform_indices = @transform_0, window_bounds = array<i64: 256, 128>}, {transform_indices = @transform_1, window_bounds = array<i64: 1, 128, 2048>}, {transform_indices = @transform_2, window_bounds = array<i64: 256, 20>}]} {
    %mul3A = arith.constant 2048 : i32
    %mul3A_0 = arith.muli %arg0, %mul3A : i32
    %get3A = arith.constant 0 : index
    %get3A_1 = arith.constant 0 : index
    %get3A_2 = vector.load %arg2[%get3A, %get3A_1] : memref<256x128xf32, #tpu.memory_space<vmem>>, vector<256x128xf32>
    %get3A_3 = arith.constant 0 : index
    %get3A_4 = arith.constant 0 : index
    %get3A_5 = arith.constant 0 : index
    %get3A_6 = vector.load %arg3[%get3A_3, %get3A_4, %get3A_5] : memref<1x128x2048xf32, #tpu.memory_space<vmem>>, vector<1x128x2048xf32>
    %get3A_7 = vector.shape_cast %get3A_6 : vector<1x128x2048xf32> to vector<128x2048xf32>
    %dot_general3A = arith.constant dense<0.000000e+00> : vector<256x2048xf32>
    %dot_general3A_8 = tpu.matmul %get3A_2, %get3A_7, %dot_general3A {dimension_numbers = #tpu.dot_dimension_numbers<[1], [0], [0], [1], [0, 0, 1, 1], [], []>, transpose_lhs_hint = false} : vector<256x128xf32>, vector<128x2048xf32>, vector<256x2048xf32> -> vector<256x2048xf32>
    %mul3A_9 = arith.mulf %get3A_2, %get3A_2 : vector<256x128xf32>
    %reduce_sum3A = arith.constant dense<0.000000e+00> : vector<256xf32>
    %reduce_sum3A_10 = vector.multi_reduction <add>, %mul3A_9, %reduce_sum3A [1] : vector<256x128xf32> to vector<256xf32>
    %broadcast_in_dim3A = vector.shape_cast %reduce_sum3A_10 : vector<256xf32> to vector<256x1xf32>
    %mul3A_11 = arith.mulf %get3A_7, %get3A_7 : vector<128x2048xf32>
    %reduce_sum3A_12 = arith.constant dense<0.000000e+00> : vector<2048xf32>
    %reduce_sum3A_13 = vector.multi_reduction <add>, %mul3A_11, %reduce_sum3A_12 [0] : vector<128x2048xf32> to vector<2048xf32>
    %broadcast_in_dim3A_14 = vector.shape_cast %reduce_sum3A_13 : vector<2048xf32> to vector<1x2048xf32>
    %mul3A_15 = arith.constant 2.000000e+00 : f32
    %mul3A_16 = vector.broadcast %mul3A_15 : f32 to vector<256x2048xf32>
    %mul3A_17 = arith.mulf %mul3A_16, %dot_general3A_8 : vector<256x2048xf32>
    %sub3A = vector.broadcast %broadcast_in_dim3A : vector<256x1xf32> to vector<256x2048xf32>
    %sub3A_18 = arith.subf %mul3A_17, %sub3A : vector<256x2048xf32>
    %sub3A_19 = vector.broadcast %broadcast_in_dim3A_14 : vector<1x2048xf32> to vector<256x2048xf32>
    %sub3A_20 = arith.subf %sub3A_18, %sub3A_19 : vector<256x2048xf32>
    %swap3A = arith.constant 0 : index
    %swap3A_21 = arith.constant 0 : index
    %swap3A_22 = vector.load %arg5[%swap3A, %swap3A_21] : memref<256x2048xf32, #tpu.memory_space<vmem>>, vector<256x2048xf32>
    tpu.vector_store %arg5[%swap3A, %swap3A_21], %sub3A_20 {strides = array<i32>} : memref<256x2048xf32, #tpu.memory_space<vmem>>, vector<256x2048xf32>,
    %iota3A = tpu.iota {dimensions = array<i32: 1>} : vector<256x2048xi32>
    %iota3A_23 = tpu.iota {dimensions = array<i32: 1>} : vector<256x20xi32>
    %broadcast_in_dim3A_24 = arith.constant 0 : i32
    %broadcast_in_dim3A_25 = vector.broadcast %broadcast_in_dim3A_24 : i32 to vector<256x20xi32>
    %scan3A = arith.constant 0 : i32
    %scan3A_26 = arith.constant 20 : i32
    %scan3A_27 = arith.addi %scan3A, %scan3A_26 : i32
    %scan3A_28 = arith.constant 1 : i32
    %scan3A_29 = scf.for %scan3A_34 = %scan3A to %scan3A_27 step %scan3A_28 iter_args(%scan3A_35 = %broadcast_in_dim3A_25) -> (vector<256x20xi32>)  : i32 {
      %get3A_36 = arith.constant 0 : index
      %get3A_37 = arith.constant 0 : index
      %get3A_38 = vector.load %arg5[%get3A_36, %get3A_37] : memref<256x2048xf32, #tpu.memory_space<vmem>>, vector<256x2048xf32>
      %reduce_max3A = arith.constant dense<0xFF800000> : vector<256xf32>
      %reduce_max3A_39 = vector.multi_reduction <maximumf>, %get3A_38, %reduce_max3A [1] : vector<256x2048xf32> to vector<256xf32>
      %broadcast_in_dim3A_40 = vector.shape_cast %reduce_max3A_39 : vector<256xf32> to vector<256x1xf32>
      %eq3A = vector.broadcast %broadcast_in_dim3A_40 : vector<256x1xf32> to vector<256x2048xf32>
      %eq3A_41 = arith.cmpf oeq, %get3A_38, %eq3A : vector<256x2048xf32>
      %jit3A = arith.constant 2048 : i32
      %broadcast_in_dim3A_42 = vector.broadcast %jit3A : i32 to vector<256x2048xi32>
      %select_n3A = arith.select %eq3A_41, %iota3A, %broadcast_in_dim3A_42 : vector<256x2048xi1>, vector<256x2048xi32>
      %reduce_min3A = arith.constant dense<2147483647> : vector<256xi32>
      %reduce_min3A_43 = vector.multi_reduction <minsi>, %select_n3A, %reduce_min3A [1] : vector<256x2048xi32> to vector<256xi32>
      %broadcast_in_dim3A_44 = vector.shape_cast %reduce_min3A_43 : vector<256xi32> to vector<256x1xi32>
      %eq3A_45 = vector.broadcast %scan3A_34 : i32 to vector<256x20xi32>
      %eq3A_46 = arith.cmpi eq, %iota3A_23, %eq3A_45 : vector<256x20xi32>
      %add3A = vector.broadcast %mul3A_0 : i32 to vector<256x1xi32>
      %add3A_47 = arith.addi %broadcast_in_dim3A_44, %add3A : vector<256x1xi32>
      %broadcast_in_dim3A_48 = vector.shape_cast %add3A_47 : vector<256x1xi32> to vector<256x1xi32>
      %broadcast_in_dim3A_49 = vector.broadcast %broadcast_in_dim3A_48 : vector<256x1xi32> to vector<256x20xi32>
      %select_n3A_50 = arith.select %eq3A_46, %broadcast_in_dim3A_49, %scan3A_35 : vector<256x20xi1>, vector<256x20xi32>
      %eq3A_51 = vector.broadcast %broadcast_in_dim3A_44 : vector<256x1xi32> to vector<256x2048xi32>
      %eq3A_52 = arith.cmpi eq, %iota3A, %eq3A_51 : vector<256x2048xi32>
      %jit3A_53 = arith.constant -3.000000e+38 : f32
      %broadcast_in_dim3A_54 = vector.broadcast %jit3A_53 : f32 to vector<256x2048xf32>
      %select_n3A_55 = arith.select %eq3A_52, %broadcast_in_dim3A_54, %get3A_38 : vector<256x2048xi1>, vector<256x2048xf32>
      %swap3A_56 = arith.constant 0 : index
      %swap3A_57 = arith.constant 0 : index
      %swap3A_58 = vector.load %arg5[%swap3A_56, %swap3A_57] : memref<256x2048xf32, #tpu.memory_space<vmem>>, vector<256x2048xf32>
      tpu.vector_store %arg5[%swap3A_56, %swap3A_57], %select_n3A_55 {strides = array<i32>} : memref<256x2048xf32, #tpu.memory_space<vmem>>, vector<256x2048xf32>,
      scf.yield %select_n3A_50 : vector<256x20xi32>
    }
    %scan3A_30 = arith.constant 20 : i32
    %swap3A_31 = arith.constant 0 : index
    %swap3A_32 = arith.constant 0 : index
    %swap3A_33 = vector.load %arg4[%swap3A_31, %swap3A_32] : memref<256x20xi32, #tpu.memory_space<vmem>>, vector<256x20xi32>
    tpu.vector_store %arg4[%swap3A_31, %swap3A_32], %scan3A_29 {strides = array<i32>} : memref<256x20xi32, #tpu.memory_space<vmem>>, vector<256x20xi32>,
    return
  }
  func.func @transform_0(%arg0: i32, %arg1: i32) -> (i32, i32) {
    %mul3A = arith.constant 8 : i32
    %mul3A_0 = arith.muli %arg0, %mul3A : i32
    %add3A = arith.addi %mul3A_0, %arg1 : i32
    %c0_i32 = arith.constant 0 : i32
    %c0_i32_1 = arith.constant 0 : i32
    return %add3A, %c0_i32 : i32, i32
  }
  func.func @transform_1(%arg0: i32, %arg1: i32) -> (i32, i32, i32) {
    %c0_i32 = arith.constant 0 : i32
    %c0_i32_0 = arith.constant 0 : i32
    %c0_i32_1 = arith.constant 0 : i32
    return %arg0, %c0_i32, %c0_i32_0 : i32, i32, i32
  }
  func.func @transform_2(%arg0: i32, %arg1: i32) -> (i32, i32) {
    %mul3A = arith.constant 8 : i32
    %mul3A_0 = arith.muli %arg0, %mul3A : i32
    %add3A = arith.addi %mul3A_0, %arg1 : i32
    %c0_i32 = arith.constant 0 : i32
    %c0_i32_1 = arith.constant 0 : i32
    return %add3A, %c0_i32 : i32, i32
  }
}

module attributes {stable_mosaic.version = 14 : i64} {
  func.func @_finish1_body(%arg0: i32, %arg1: memref<2048x128xi32, #tpu.memory_space<vmem>>, %arg2: memref<2048x128xf32, #tpu.memory_space<vmem>>, %arg3: memref<128x8xf32, #tpu.memory_space<vmem>>, %arg4: memref<128x256xf32, #tpu.memory_space<vmem>>, %arg5: memref<8x256xf32, #tpu.memory_space<vmem>>, %arg6: memref<1x256xf32, #tpu.memory_space<vmem>>, %arg7: memref<256x8xf32, #tpu.memory_space<vmem>>, %arg8: memref<256x256xf32, #tpu.memory_space<vmem>>, %arg9: memref<256x256xf32, #tpu.memory_space<vmem>>, %arg10: memref<1x256xf32, #tpu.memory_space<vmem>>, %arg11: memref<128x256xf32, #tpu.memory_space<vmem>>) attributes {dimension_semantics = [#tpu.dimension_semantics<arbitrary>], iteration_bounds = array<i64: 32>, scalar_prefetch = 0 : i64, scratch_operands = 0 : i64, tpu.core_type = #tpu.core_type<tc>, window_params = [{transform_indices = @transform_0, window_bounds = array<i64: 2048, 128>}, {transform_indices = @transform_1, window_bounds = array<i64: 2048, 128>}, {transform_indices = @transform_2, window_bounds = array<i64: 128, 8>}, {transform_indices = @transform_3, window_bounds = array<i64: 128, 256>}, {pipeline_mode = #tpu.pipeline_mode<synchronous>, transform_indices = @transform_4, window_bounds = array<i64: 8, 256>}, {pipeline_mode = #tpu.pipeline_mode<synchronous>, transform_indices = @transform_5, window_bounds = array<i64: 1, 256>}, {pipeline_mode = #tpu.pipeline_mode<synchronous>, transform_indices = @transform_6, window_bounds = array<i64: 256, 8>}, {pipeline_mode = #tpu.pipeline_mode<synchronous>, transform_indices = @transform_7, window_bounds = array<i64: 256, 256>}, {pipeline_mode = #tpu.pipeline_mode<synchronous>, transform_indices = @transform_8, window_bounds = array<i64: 256, 256>}, {pipeline_mode = #tpu.pipeline_mode<synchronous>, transform_indices = @transform_9, window_bounds = array<i64: 1, 256>}, {transform_indices = @transform_10, window_bounds = array<i64: 128, 256>}]} {
    %get3A = arith.constant 0 : index
    %get3A_0 = arith.constant 0 : index
    %get3A_1 = vector.load %arg1[%get3A, %get3A_0] : memref<2048x128xi32, #tpu.memory_space<vmem>>, vector<2048x128xi32>
    %shift_left3A = arith.constant 16 : i32
    %shift_left3A_2 = vector.broadcast %shift_left3A : i32 to vector<2048x128xi32>
    %shift_left3A_3 = arith.shli %get3A_1, %shift_left3A_2 : vector<2048x128xi32>
    %bitcast_convert_type3A = tpu.bitcast %shift_left3A_3 : vector<2048x128xi32> -> vector<2048x128xf32>
    %and3A = arith.constant -65536 : i32
    %and3A_4 = vector.broadcast %and3A : i32 to vector<2048x128xi32>
    %and3A_5 = arith.andi %get3A_1, %and3A_4 : vector<2048x128xi32>
    %bitcast_convert_type3A_6 = tpu.bitcast %and3A_5 : vector<2048x128xi32> -> vector<2048x128xf32>
    %concatenate3A = tpu.concatenate %bitcast_convert_type3A, %bitcast_convert_type3A_6 in 1 : vector<2048x128xf32>, vector<2048x128xf32> -> vector<2048x256xf32>
    %get3A_7 = arith.constant 0 : index
    %get3A_8 = arith.constant 0 : index
    %get3A_9 = vector.load %arg3[%get3A_7, %get3A_8] : memref<128x8xf32, #tpu.memory_space<vmem>>, vector<128x8xf32>
    %broadcast_in_dim3A = vector.shape_cast %get3A_9 : vector<128x8xf32> to vector<128x1x8xf32>
    %broadcast_in_dim3A_10 = vector.shape_cast %broadcast_in_dim3A : vector<128x1x8xf32> to vector<128x1x8xf32>
    %broadcast_in_dim3A_11 = vector.broadcast %broadcast_in_dim3A_10 : vector<128x1x8xf32> to vector<128x16x8xf32>
    %reshape3A = vector.shape_cast %broadcast_in_dim3A_11 : vector<128x16x8xf32> to vector<2048x8xf32>
    %get3A_12 = arith.constant 0 : index
    %get3A_13 = arith.constant 0 : index
    %get3A_14 = vector.load %arg2[%get3A_12, %get3A_13] : memref<2048x128xf32, #tpu.memory_space<vmem>>, vector<2048x128xf32>
    %slice3A = vector.extract_strided_slice %get3A_14 {offsets = [0, 0], sizes = [2048, 8], strides = [1, 1]} : vector<2048x128xf32> to vector<2048x8xf32>
    %sub3A = arith.subf %reshape3A, %slice3A : vector<2048x8xf32>
    %get3A_15 = arith.constant 0 : index
    %get3A_16 = arith.constant 0 : index
    %get3A_17 = vector.load %arg5[%get3A_15, %get3A_16] : memref<8x256xf32, #tpu.memory_space<vmem>>, vector<8x256xf32>
    %dot_general3A = arith.constant dense<0.000000e+00> : vector<2048x256xf32>
    %dot_general3A_18 = tpu.matmul %sub3A, %get3A_17, %dot_general3A {dimension_numbers = #tpu.dot_dimension_numbers<[1], [0], [0], [1], [0, 0, 1, 1], [], []>, transpose_lhs_hint = false} : vector<2048x8xf32>, vector<8x256xf32>, vector<2048x256xf32> -> vector<2048x256xf32>
    %get3A_19 = arith.constant 0 : index
    %get3A_20 = arith.constant 0 : index
    %get3A_21 = vector.load %arg6[%get3A_19, %get3A_20] : memref<1x256xf32, #tpu.memory_space<vmem>>, vector<1x256xf32>
    %add3A = vector.broadcast %get3A_21 : vector<1x256xf32> to vector<2048x256xf32>
    %add3A_22 = arith.addf %dot_general3A_18, %add3A : vector<2048x256xf32>
    %max3A = arith.constant 0.000000e+00 : f32
    %max3A_23 = vector.broadcast %max3A : f32 to vector<2048x256xf32>
    %max3A_24 = arith.maximumf %add3A_22, %max3A_23 : vector<2048x256xf32>
    %get3A_25 = arith.constant 0 : index
    %get3A_26 = arith.constant 0 : index
    %get3A_27 = vector.load %arg7[%get3A_25, %get3A_26] : memref<256x8xf32, #tpu.memory_space<vmem>>, vector<256x8xf32>
    %dot_general3A_28 = arith.constant dense<0.000000e+00> : vector<2048x8xf32>
    %dot_general3A_29 = tpu.matmul %max3A_24, %get3A_27, %dot_general3A_28 {dimension_numbers = #tpu.dot_dimension_numbers<[1], [0], [0], [1], [0, 0, 1, 1], [], []>, transpose_lhs_hint = false} : vector<2048x256xf32>, vector<256x8xf32>, vector<2048x8xf32> -> vector<2048x8xf32>
    %slice3A_30 = vector.extract_strided_slice %sub3A {offsets = [0, 3], sizes = [2048, 4], strides = [1, 1]} : vector<2048x8xf32> to vector<2048x4xf32>
    %slice3A_31 = vector.extract_strided_slice %dot_general3A_29 {offsets = [0, 0], sizes = [2048, 4], strides = [1, 1]} : vector<2048x8xf32> to vector<2048x4xf32>
    %add3A_32 = arith.addf %slice3A_30, %slice3A_31 : vector<2048x4xf32>
    %reshape3A_33 = vector.shape_cast %add3A_32 : vector<2048x4xf32> to vector<128x16x4xf32>
    %reduce_max3A = arith.constant dense<0xFF800000> : vector<128x4xf32>
    %reduce_max3A_34 = vector.multi_reduction <maximumf>, %reshape3A_33, %reduce_max3A [1] : vector<128x16x4xf32> to vector<128x4xf32>
    %broadcast_in_dim3A_35 = vector.shape_cast %reduce_max3A_34 : vector<128x4xf32> to vector<128x1x4xf32>
    %sub3A_36 = vector.broadcast %broadcast_in_dim3A_35 : vector<128x1x4xf32> to vector<128x16x4xf32>
    %sub3A_37 = arith.subf %reshape3A_33, %sub3A_36 : vector<128x16x4xf32>
    %exp3A = math.exp %sub3A_37 : vector<128x16x4xf32>
    %reduce_sum3A = arith.constant dense<0.000000e+00> : vector<128x4xf32>
    %reduce_sum3A_38 = vector.multi_reduction <add>, %exp3A, %reduce_sum3A [1] : vector<128x16x4xf32> to vector<128x4xf32>
    %broadcast_in_dim3A_39 = vector.shape_cast %reduce_sum3A_38 : vector<128x4xf32> to vector<128x1x4xf32>
    %div3A = vector.broadcast %broadcast_in_dim3A_39 : vector<128x1x4xf32> to vector<128x16x4xf32>
    %div3A_40 = arith.divf %exp3A, %div3A : vector<128x16x4xf32>
    %reshape3A_41 = vector.shape_cast %div3A_40 : vector<128x16x4xf32> to vector<2048x4xf32>
    %slice3A_42 = vector.extract_strided_slice %reshape3A_41 {offsets = [0, 0], sizes = [2048, 1], strides = [1, 1]} : vector<2048x4xf32> to vector<2048x1xf32>
    %mul3A = vector.broadcast %slice3A_42 : vector<2048x1xf32> to vector<2048x256xf32>
    %mul3A_43 = arith.mulf %mul3A, %max3A_24 : vector<2048x256xf32>
    %reshape3A_44 = vector.shape_cast %mul3A_43 : vector<2048x256xf32> to vector<128x16x256xf32>
    %reduce_sum3A_45 = arith.constant dense<0.000000e+00> : vector<128x256xf32>
    %reduce_sum3A_46 = vector.multi_reduction <add>, %reshape3A_44, %reduce_sum3A_45 [1] : vector<128x16x256xf32> to vector<128x256xf32>
    %slice3A_47 = vector.extract_strided_slice %reshape3A_41 {offsets = [0, 1], sizes = [2048, 1], strides = [1, 1]} : vector<2048x4xf32> to vector<2048x1xf32>
    %mul3A_48 = vector.broadcast %slice3A_47 : vector<2048x1xf32> to vector<2048x256xf32>
    %mul3A_49 = arith.mulf %mul3A_48, %max3A_24 : vector<2048x256xf32>
    %reshape3A_50 = vector.shape_cast %mul3A_49 : vector<2048x256xf32> to vector<128x16x256xf32>
    %reduce_sum3A_51 = arith.constant dense<0.000000e+00> : vector<128x256xf32>
    %reduce_sum3A_52 = vector.multi_reduction <add>, %reshape3A_50, %reduce_sum3A_51 [1] : vector<128x16x256xf32> to vector<128x256xf32>
    %slice3A_53 = vector.extract_strided_slice %reshape3A_41 {offsets = [0, 2], sizes = [2048, 1], strides = [1, 1]} : vector<2048x4xf32> to vector<2048x1xf32>
    %mul3A_54 = vector.broadcast %slice3A_53 : vector<2048x1xf32> to vector<2048x256xf32>
    %mul3A_55 = arith.mulf %mul3A_54, %max3A_24 : vector<2048x256xf32>
    %reshape3A_56 = vector.shape_cast %mul3A_55 : vector<2048x256xf32> to vector<128x16x256xf32>
    %reduce_sum3A_57 = arith.constant dense<0.000000e+00> : vector<128x256xf32>
    %reduce_sum3A_58 = vector.multi_reduction <add>, %reshape3A_56, %reduce_sum3A_57 [1] : vector<128x16x256xf32> to vector<128x256xf32>
    %slice3A_59 = vector.extract_strided_slice %reshape3A_41 {offsets = [0, 3], sizes = [2048, 1], strides = [1, 1]} : vector<2048x4xf32> to vector<2048x1xf32>
    %mul3A_60 = vector.broadcast %slice3A_59 : vector<2048x1xf32> to vector<2048x256xf32>
    %mul3A_61 = arith.mulf %mul3A_60, %max3A_24 : vector<2048x256xf32>
    %reshape3A_62 = vector.shape_cast %mul3A_61 : vector<2048x256xf32> to vector<128x16x256xf32>
    %reduce_sum3A_63 = arith.constant dense<0.000000e+00> : vector<128x256xf32>
    %reduce_sum3A_64 = vector.multi_reduction <add>, %reshape3A_62, %reduce_sum3A_63 [1] : vector<128x16x256xf32> to vector<128x256xf32>
    %slice3A_65 = vector.extract_strided_slice %reshape3A_41 {offsets = [0, 0], sizes = [2048, 1], strides = [1, 1]} : vector<2048x4xf32> to vector<2048x1xf32>
    %broadcast_in_dim3A_66 = vector.shape_cast %slice3A_65 : vector<2048x1xf32> to vector<2048x1xf32>
    %broadcast_in_dim3A_67 = vector.broadcast %broadcast_in_dim3A_66 : vector<2048x1xf32> to vector<2048x64xf32>
    %slice3A_68 = vector.extract_strided_slice %reshape3A_41 {offsets = [0, 1], sizes = [2048, 1], strides = [1, 1]} : vector<2048x4xf32> to vector<2048x1xf32>
    %broadcast_in_dim3A_69 = vector.shape_cast %slice3A_68 : vector<2048x1xf32> to vector<2048x1xf32>
    %broadcast_in_dim3A_70 = vector.broadcast %broadcast_in_dim3A_69 : vector<2048x1xf32> to vector<2048x64xf32>
    %slice3A_71 = vector.extract_strided_slice %reshape3A_41 {offsets = [0, 2], sizes = [2048, 1], strides = [1, 1]} : vector<2048x4xf32> to vector<2048x1xf32>
    %broadcast_in_dim3A_72 = vector.shape_cast %slice3A_71 : vector<2048x1xf32> to vector<2048x1xf32>
    %broadcast_in_dim3A_73 = vector.broadcast %broadcast_in_dim3A_72 : vector<2048x1xf32> to vector<2048x64xf32>
    %slice3A_74 = vector.extract_strided_slice %reshape3A_41 {offsets = [0, 3], sizes = [2048, 1], strides = [1, 1]} : vector<2048x4xf32> to vector<2048x1xf32>
    %broadcast_in_dim3A_75 = vector.shape_cast %slice3A_74 : vector<2048x1xf32> to vector<2048x1xf32>
    %broadcast_in_dim3A_76 = vector.broadcast %broadcast_in_dim3A_75 : vector<2048x1xf32> to vector<2048x64xf32>
    %concatenate3A_77 = tpu.concatenate %broadcast_in_dim3A_67, %broadcast_in_dim3A_70, %broadcast_in_dim3A_73, %broadcast_in_dim3A_76 in 1 : vector<2048x64xf32>, vector<2048x64xf32>, vector<2048x64xf32>, vector<2048x64xf32> -> vector<2048x256xf32>
    %mul3A_78 = arith.mulf %concatenate3A_77, %concatenate3A : vector<2048x256xf32>
    %reshape3A_79 = vector.shape_cast %mul3A_78 : vector<2048x256xf32> to vector<128x16x256xf32>
    %reduce_sum3A_80 = arith.constant dense<0.000000e+00> : vector<128x256xf32>
    %reduce_sum3A_81 = vector.multi_reduction <add>, %reshape3A_79, %reduce_sum3A_80 [1] : vector<128x16x256xf32> to vector<128x256xf32>
    %get3A_82 = arith.constant 0 : index
    %get3A_83 = arith.constant 0 : index
    %get3A_84 = vector.load %arg8[%get3A_82, %get3A_83] : memref<256x256xf32, #tpu.memory_space<vmem>>, vector<256x256xf32>
    %slice3A_85 = vector.extract_strided_slice %get3A_84 {offsets = [0, 0], sizes = [256, 64], strides = [1, 1]} : vector<256x256xf32> to vector<256x64xf32>
    %dot_general3A_86 = arith.constant dense<0.000000e+00> : vector<128x64xf32>
    %dot_general3A_87 = tpu.matmul %reduce_sum3A_46, %slice3A_85, %dot_general3A_86 {dimension_numbers = #tpu.dot_dimension_numbers<[1], [0], [0], [1], [0, 0, 1, 1], [], []>, transpose_lhs_hint = false} : vector<128x256xf32>, vector<256x64xf32>, vector<128x64xf32> -> vector<128x64xf32>
    %slice3A_88 = vector.extract_strided_slice %get3A_84 {offsets = [0, 64], sizes = [256, 64], strides = [1, 1]} : vector<256x256xf32> to vector<256x64xf32>
    %dot_general3A_89 = arith.constant dense<0.000000e+00> : vector<128x64xf32>
    %dot_general3A_90 = tpu.matmul %reduce_sum3A_52, %slice3A_88, %dot_general3A_89 {dimension_numbers = #tpu.dot_dimension_numbers<[1], [0], [0], [1], [0, 0, 1, 1], [], []>, transpose_lhs_hint = false} : vector<128x256xf32>, vector<256x64xf32>, vector<128x64xf32> -> vector<128x64xf32>
    %slice3A_91 = vector.extract_strided_slice %get3A_84 {offsets = [0, 128], sizes = [256, 64], strides = [1, 1]} : vector<256x256xf32> to vector<256x64xf32>
    %dot_general3A_92 = arith.constant dense<0.000000e+00> : vector<128x64xf32>
    %dot_general3A_93 = tpu.matmul %reduce_sum3A_58, %slice3A_91, %dot_general3A_92 {dimension_numbers = #tpu.dot_dimension_numbers<[1], [0], [0], [1], [0, 0, 1, 1], [], []>, transpose_lhs_hint = false} : vector<128x256xf32>, vector<256x64xf32>, vector<128x64xf32> -> vector<128x64xf32>
    %slice3A_94 = vector.extract_strided_slice %get3A_84 {offsets = [0, 192], sizes = [256, 64], strides = [1, 1]} : vector<256x256xf32> to vector<256x64xf32>
    %dot_general3A_95 = arith.constant dense<0.000000e+00> : vector<128x64xf32>
    %dot_general3A_96 = tpu.matmul %reduce_sum3A_64, %slice3A_94, %dot_general3A_95 {dimension_numbers = #tpu.dot_dimension_numbers<[1], [0], [0], [1], [0, 0, 1, 1], [], []>, transpose_lhs_hint = false} : vector<128x256xf32>, vector<256x64xf32>, vector<128x64xf32> -> vector<128x64xf32>
    %concatenate3A_97 = tpu.concatenate %dot_general3A_87, %dot_general3A_90, %dot_general3A_93, %dot_general3A_96 in 1 : vector<128x64xf32>, vector<128x64xf32>, vector<128x64xf32>, vector<128x64xf32> -> vector<128x256xf32>
    %add3A_98 = arith.addf %reduce_sum3A_81, %concatenate3A_97 : vector<128x256xf32>
    %get3A_99 = arith.constant 0 : index
    %get3A_100 = arith.constant 0 : index
    %get3A_101 = vector.load %arg4[%get3A_99, %get3A_100] : memref<128x256xf32, #tpu.memory_space<vmem>>, vector<128x256xf32>
    %get3A_102 = arith.constant 0 : index
    %get3A_103 = arith.constant 0 : index
    %get3A_104 = vector.load %arg9[%get3A_102, %get3A_103] : memref<256x256xf32, #tpu.memory_space<vmem>>, vector<256x256xf32>
    %dot_general3A_105 = arith.constant dense<0.000000e+00> : vector<128x256xf32>
    %dot_general3A_106 = tpu.matmul %add3A_98, %get3A_104, %dot_general3A_105 {dimension_numbers = #tpu.dot_dimension_numbers<[1], [0], [0], [1], [0, 0, 1, 1], [], []>, transpose_lhs_hint = false} : vector<128x256xf32>, vector<256x256xf32>, vector<128x256xf32> -> vector<128x256xf32>
    %add3A_107 = arith.addf %get3A_101, %dot_general3A_106 : vector<128x256xf32>
    %get3A_108 = arith.constant 0 : index
    %get3A_109 = arith.constant 0 : index
    %get3A_110 = vector.load %arg10[%get3A_108, %get3A_109] : memref<1x256xf32, #tpu.memory_space<vmem>>, vector<1x256xf32>
    %add3A_111 = vector.broadcast %get3A_110 : vector<1x256xf32> to vector<128x256xf32>
    %add3A_112 = arith.addf %add3A_107, %add3A_111 : vector<128x256xf32>
    %swap3A = arith.constant 0 : index
    %swap3A_113 = arith.constant 0 : index
    %swap3A_114 = vector.load %arg11[%swap3A, %swap3A_113] : memref<128x256xf32, #tpu.memory_space<vmem>>, vector<128x256xf32>
    tpu.vector_store %arg11[%swap3A, %swap3A_113], %add3A_112 {strides = array<i32>} : memref<128x256xf32, #tpu.memory_space<vmem>>, vector<128x256xf32>,
    return
  }
  func.func @transform_0(%arg0: i32) -> (i32, i32) {
    %c0_i32 = arith.constant 0 : i32
    %c0_i32_0 = arith.constant 0 : i32
    return %arg0, %c0_i32 : i32, i32
  }
  func.func @transform_1(%arg0: i32) -> (i32, i32) {
    %c0_i32 = arith.constant 0 : i32
    %c0_i32_0 = arith.constant 0 : i32
    return %arg0, %c0_i32 : i32, i32
  }
  func.func @transform_2(%arg0: i32) -> (i32, i32) {
    %c0_i32 = arith.constant 0 : i32
    %c0_i32_0 = arith.constant 0 : i32
    return %arg0, %c0_i32 : i32, i32
  }
  func.func @transform_3(%arg0: i32) -> (i32, i32) {
    %c0_i32 = arith.constant 0 : i32
    %c0_i32_0 = arith.constant 0 : i32
    return %arg0, %c0_i32 : i32, i32
  }
  func.func @transform_4(%arg0: i32) -> (i32, i32) {
    %c0_i32 = arith.constant 0 : i32
    %c0_i32_0 = arith.constant 0 : i32
    %c0_i32_1 = arith.constant 0 : i32
    return %c0_i32, %c0_i32_0 : i32, i32
  }
  func.func @transform_5(%arg0: i32) -> (i32, i32) {
    %c0_i32 = arith.constant 0 : i32
    %c0_i32_0 = arith.constant 0 : i32
    %c0_i32_1 = arith.constant 0 : i32
    return %c0_i32, %c0_i32_0 : i32, i32
  }
  func.func @transform_6(%arg0: i32) -> (i32, i32) {
    %c0_i32 = arith.constant 0 : i32
    %c0_i32_0 = arith.constant 0 : i32
    %c0_i32_1 = arith.constant 0 : i32
    return %c0_i32, %c0_i32_0 : i32, i32
  }
  func.func @transform_7(%arg0: i32) -> (i32, i32) {
    %c0_i32 = arith.constant 0 : i32
    %c0_i32_0 = arith.constant 0 : i32
    %c0_i32_1 = arith.constant 0 : i32
    return %c0_i32, %c0_i32_0 : i32, i32
  }
  func.func @transform_8(%arg0: i32) -> (i32, i32) {
    %c0_i32 = arith.constant 0 : i32
    %c0_i32_0 = arith.constant 0 : i32
    %c0_i32_1 = arith.constant 0 : i32
    return %c0_i32, %c0_i32_0 : i32, i32
  }
  func.func @transform_9(%arg0: i32) -> (i32, i32) {
    %c0_i32 = arith.constant 0 : i32
    %c0_i32_0 = arith.constant 0 : i32
    %c0_i32_1 = arith.constant 0 : i32
    return %c0_i32, %c0_i32_0 : i32, i32
  }
  func.func @transform_10(%arg0: i32) -> (i32, i32) {
    %c0_i32 = arith.constant 0 : i32
    %c0_i32_0 = arith.constant 0 : i32
    return %arg0, %c0_i32 : i32, i32
  }
}

module attributes {stable_mosaic.version = 14 : i64} {
  func.func @_finish2_body(%arg0: i32, %arg1: memref<2560x128xi32, #tpu.memory_space<vmem>>, %arg2: memref<128x256xf32, #tpu.memory_space<vmem>>, %arg3: memref<128x256xf32, #tpu.memory_space<vmem>>, %arg4: memref<256x256xf32, #tpu.memory_space<vmem>>, %arg5: memref<1x256xf32, #tpu.memory_space<vmem>>, %arg6: memref<1x256xf32, #tpu.memory_space<vmem>>, %arg7: memref<128x256xf32, #tpu.memory_space<vmem>>) attributes {dimension_semantics = [#tpu.dimension_semantics<arbitrary>], iteration_bounds = array<i64: 32>, scalar_prefetch = 0 : i64, scratch_operands = 0 : i64, tpu.core_type = #tpu.core_type<tc>, window_params = [{transform_indices = @transform_0, window_bounds = array<i64: 2560, 128>}, {transform_indices = @transform_1, window_bounds = array<i64: 128, 256>}, {transform_indices = @transform_2, window_bounds = array<i64: 128, 256>}, {pipeline_mode = #tpu.pipeline_mode<synchronous>, transform_indices = @transform_3, window_bounds = array<i64: 256, 256>}, {pipeline_mode = #tpu.pipeline_mode<synchronous>, transform_indices = @transform_4, window_bounds = array<i64: 1, 256>}, {pipeline_mode = #tpu.pipeline_mode<synchronous>, transform_indices = @transform_5, window_bounds = array<i64: 1, 256>}, {transform_indices = @transform_6, window_bounds = array<i64: 128, 256>}]} {
    %get3A = arith.constant 0 : index
    %get3A_0 = arith.constant 0 : index
    %get3A_1 = vector.load %arg1[%get3A, %get3A_0] : memref<2560x128xi32, #tpu.memory_space<vmem>>, vector<2560x128xi32>
    %shift_left3A = arith.constant 16 : i32
    %shift_left3A_2 = vector.broadcast %shift_left3A : i32 to vector<2560x128xi32>
    %shift_left3A_3 = arith.shli %get3A_1, %shift_left3A_2 : vector<2560x128xi32>
    %bitcast_convert_type3A = tpu.bitcast %shift_left3A_3 : vector<2560x128xi32> -> vector<2560x128xf32>
    %and3A = arith.constant -65536 : i32
    %and3A_4 = vector.broadcast %and3A : i32 to vector<2560x128xi32>
    %and3A_5 = arith.andi %get3A_1, %and3A_4 : vector<2560x128xi32>
    %bitcast_convert_type3A_6 = tpu.bitcast %and3A_5 : vector<2560x128xi32> -> vector<2560x128xf32>
    %concatenate3A = tpu.concatenate %bitcast_convert_type3A, %bitcast_convert_type3A_6 in 1 : vector<2560x128xf32>, vector<2560x128xf32> -> vector<2560x256xf32>
    %get3A_7 = arith.constant 0 : index
    %get3A_8 = arith.constant 0 : index
    %get3A_9 = vector.load %arg2[%get3A_7, %get3A_8] : memref<128x256xf32, #tpu.memory_space<vmem>>, vector<128x256xf32>
    %broadcast_in_dim3A = vector.shape_cast %get3A_9 : vector<128x256xf32> to vector<128x1x256xf32>
    %broadcast_in_dim3A_10 = vector.shape_cast %broadcast_in_dim3A : vector<128x1x256xf32> to vector<128x1x256xf32>
    %broadcast_in_dim3A_11 = vector.broadcast %broadcast_in_dim3A_10 : vector<128x1x256xf32> to vector<128x20x256xf32>
    %reshape3A = vector.shape_cast %broadcast_in_dim3A_11 : vector<128x20x256xf32> to vector<2560x256xf32>
    %add3A = arith.addf %concatenate3A, %reshape3A : vector<2560x256xf32>
    %reduce_sum3A = arith.constant dense<0.000000e+00> : vector<2560xf32>
    %reduce_sum3A_12 = vector.multi_reduction <add>, %add3A, %reduce_sum3A [1] : vector<2560x256xf32> to vector<2560xf32>
    %broadcast_in_dim3A_13 = vector.shape_cast %reduce_sum3A_12 : vector<2560xf32> to vector<2560x1xf32>
    %div3A = arith.constant 2.560000e+02 : f32
    %div3A_14 = vector.broadcast %div3A : f32 to vector<2560x1xf32>
    %div3A_15 = arith.divf %broadcast_in_dim3A_13, %div3A_14 : vector<2560x1xf32>
    %sub3A = vector.broadcast %div3A_15 : vector<2560x1xf32> to vector<2560x256xf32>
    %sub3A_16 = arith.subf %add3A, %sub3A : vector<2560x256xf32>
    %mul3A = arith.mulf %sub3A_16, %sub3A_16 : vector<2560x256xf32>
    %reduce_sum3A_17 = arith.constant dense<0.000000e+00> : vector<2560xf32>
    %reduce_sum3A_18 = vector.multi_reduction <add>, %mul3A, %reduce_sum3A_17 [1] : vector<2560x256xf32> to vector<2560xf32>
    %broadcast_in_dim3A_19 = vector.shape_cast %reduce_sum3A_18 : vector<2560xf32> to vector<2560x1xf32>
    %div3A_20 = arith.constant 2.560000e+02 : f32
    %div3A_21 = vector.broadcast %div3A_20 : f32 to vector<2560x1xf32>
    %div3A_22 = arith.divf %broadcast_in_dim3A_19, %div3A_21 : vector<2560x1xf32>
    %add3A_23 = arith.constant 9.99999974E-6 : f32
    %add3A_24 = vector.broadcast %add3A_23 : f32 to vector<2560x1xf32>
    %add3A_25 = arith.addf %div3A_22, %add3A_24 : vector<2560x1xf32>
    %rsqrt3A = math.rsqrt %add3A_25 : vector<2560x1xf32>
    %mul3A_26 = vector.broadcast %rsqrt3A : vector<2560x1xf32> to vector<2560x256xf32>
    %mul3A_27 = arith.mulf %sub3A_16, %mul3A_26 : vector<2560x256xf32>
    %get3A_28 = arith.constant 0 : index
    %get3A_29 = arith.constant 0 : index
    %get3A_30 = vector.load %arg5[%get3A_28, %get3A_29] : memref<1x256xf32, #tpu.memory_space<vmem>>, vector<1x256xf32>
    %mul3A_31 = vector.broadcast %get3A_30 : vector<1x256xf32> to vector<2560x256xf32>
    %mul3A_32 = arith.mulf %mul3A_27, %mul3A_31 : vector<2560x256xf32>
    %get3A_33 = arith.constant 0 : index
    %get3A_34 = arith.constant 0 : index
    %get3A_35 = vector.load %arg6[%get3A_33, %get3A_34] : memref<1x256xf32, #tpu.memory_space<vmem>>, vector<1x256xf32>
    %add3A_36 = vector.broadcast %get3A_35 : vector<1x256xf32> to vector<2560x256xf32>
    %add3A_37 = arith.addf %mul3A_32, %add3A_36 : vector<2560x256xf32>
    %ge3A = arith.constant 0.000000e+00 : f32
    %ge3A_38 = vector.broadcast %ge3A : f32 to vector<2560x256xf32>
    %ge3A_39 = arith.cmpf oge, %add3A_37, %ge3A_38 : vector<2560x256xf32>
    %mul3A_40 = arith.constant 2.000000e-01 : f32
    %mul3A_41 = vector.broadcast %mul3A_40 : f32 to vector<2560x256xf32>
    %mul3A_42 = arith.mulf %mul3A_41, %add3A_37 : vector<2560x256xf32>
    %select_n3A = arith.select %ge3A_39, %add3A_37, %mul3A_42 : vector<2560x256xi1>, vector<2560x256xf32>
    %reshape3A_43 = vector.shape_cast %select_n3A : vector<2560x256xf32> to vector<128x20x256xf32>
    %reduce_max3A = arith.constant dense<0xFF800000> : vector<128x256xf32>
    %reduce_max3A_44 = vector.multi_reduction <maximumf>, %reshape3A_43, %reduce_max3A [1] : vector<128x20x256xf32> to vector<128x256xf32>
    %get3A_45 = arith.constant 0 : index
    %get3A_46 = arith.constant 0 : index
    %get3A_47 = vector.load %arg3[%get3A_45, %get3A_46] : memref<128x256xf32, #tpu.memory_space<vmem>>, vector<128x256xf32>
    %get3A_48 = arith.constant 0 : index
    %get3A_49 = arith.constant 0 : index
    %get3A_50 = vector.load %arg4[%get3A_48, %get3A_49] : memref<256x256xf32, #tpu.memory_space<vmem>>, vector<256x256xf32>
    %dot_general3A = arith.constant dense<0.000000e+00> : vector<128x256xf32>
    %dot_general3A_51 = tpu.matmul %reduce_max3A_44, %get3A_50, %dot_general3A {dimension_numbers = #tpu.dot_dimension_numbers<[1], [0], [0], [1], [0, 0, 1, 1], [], []>, transpose_lhs_hint = false} : vector<128x256xf32>, vector<256x256xf32>, vector<128x256xf32> -> vector<128x256xf32>
    %add3A_52 = arith.addf %get3A_47, %dot_general3A_51 : vector<128x256xf32>
    %swap3A = arith.constant 0 : index
    %swap3A_53 = arith.constant 0 : index
    %swap3A_54 = vector.load %arg7[%swap3A, %swap3A_53] : memref<128x256xf32, #tpu.memory_space<vmem>>, vector<128x256xf32>
    tpu.vector_store %arg7[%swap3A, %swap3A_53], %add3A_52 {strides = array<i32>} : memref<128x256xf32, #tpu.memory_space<vmem>>, vector<128x256xf32>,
    return
  }
  func.func @transform_0(%arg0: i32) -> (i32, i32) {
    %c0_i32 = arith.constant 0 : i32
    %c0_i32_0 = arith.constant 0 : i32
    return %arg0, %c0_i32 : i32, i32
  }
  func.func @transform_1(%arg0: i32) -> (i32, i32) {
    %c0_i32 = arith.constant 0 : i32
    %c0_i32_0 = arith.constant 0 : i32
    return %arg0, %c0_i32 : i32, i32
  }
  func.func @transform_2(%arg0: i32) -> (i32, i32) {
    %c0_i32 = arith.constant 0 : i32
    %c0_i32_0 = arith.constant 0 : i32
    return %arg0, %c0_i32 : i32, i32
  }
  func.func @transform_3(%arg0: i32) -> (i32, i32) {
    %c0_i32 = arith.constant 0 : i32
    %c0_i32_0 = arith.constant 0 : i32
    %c0_i32_1 = arith.constant 0 : i32
    return %c0_i32, %c0_i32_0 : i32, i32
  }
  func.func @transform_4(%arg0: i32) -> (i32, i32) {
    %c0_i32 = arith.constant 0 : i32
    %c0_i32_0 = arith.constant 0 : i32
    %c0_i32_1 = arith.constant 0 : i32
    return %c0_i32, %c0_i32_0 : i32, i32
  }
  func.func @transform_5(%arg0: i32) -> (i32, i32) {
    %c0_i32 = arith.constant 0 : i32
    %c0_i32_0 = arith.constant 0 : i32
    %c0_i32_1 = arith.constant 0 : i32
    return %c0_i32, %c0_i32_0 : i32, i32
  }
  func.func @transform_6(%arg0: i32) -> (i32, i32) {
    %c0_i32 = arith.constant 0 : i32
    %c0_i32_0 = arith.constant 0 : i32
    return %arg0, %c0_i32 : i32, i32
  }
}

</mosaic_0001>

<sc_bundles>
// kernel: kernel.11.cloned.1.call-start
scs
__scs_entry_jumppad:
0x0: {  	(pc) =	sbr.rel $0x88, $3  }
0x1: {  	(tag) =	ssettag $0x0;
	lr =	simm.s32 $0x1  }
0x2: {  	[smem:$0x3F8C] =	sst lr;
	_ =	strace $0xD0000000  }
0x3: {  	_ = 	snop  }
0x4: {  	_ = 	snop  }
0x5: {  	_ = 	snop  }
0x6: {  	_ = 	snop  }
0x7: {  	_ = 	snop  }
__scs_overlays_trampoline_lowered:
0x8: {  	[smem:$0x3F9B] =	sst s0  }
0x9: {  	[smem:$0x3F9C] =	sst s1  }
0xa: {  	[smem:$0x3F9D] =	sst s2  }
0xb: {  	[smem:$0x3F9E] =	sst s3  }
0xc: {  	[smem:$0x3F9F] =	sst s4  }
0xd: {  	[smem:$0x3FA0] =	sst s5  }
0xe: {  	[smem:$0x3FA1] =	sst s6  }
0xf: {  	[smem:$0x3FA2] =	sst s7  }
0x10: {  	[smem:$0x3FA3] =	sst s8  }
0x11: {  	[smem:$0x3FA4] =	sst s9;
	s0 =	simm.s32 @!p0 $0x0  }
0x12: {  	s1 =	sld [smem:$0x3F8A];
	s0 =	simm.s32 @p0 $0x1  }
0x13: {  	[smem:$0x3FA5] =	sst s0;
	s0 =	simm.s32 @!p1 $0x0  }
0x14: {  	s2 =	sld [smem:$0x3F89];
	s0 =	simm.s32 @p1 $0x1  }
0x15: {  	[smem:$0x3FA6] =	sst s0;
	s0 =	simm.s32 @!p2 $0x0  }
0x16: {  	s3 =	sld [smem:$0x3FDB];
	s0 =	simm.s32 @p2 $0x1  }
0x17: {  	s4 =	simm.s32 $0x1BF5;
	[smem:$0x3FA8] =	sst s0  }
0x18: {  	s0 =	sld [smem:$0x3F8B];
	_ =	swait.ge [sflag:s4], $0x0  }
0x19: {  	s7 =	sld [smem:$0x3F8C]  }
0x1a: {  	s8 =	sadd.s32 $0xFFFFE003, lr  }
0x1b: {  	s9 =	sadd.s32 $0xFFFFFEF7, lr;
	s5 =	simm.s32 $0xFFFFFFFF;
	p2 =	slt.u32 s8, $0xFFFFF086  }
0x1c: {  	p1 =	slt.u32 s9, $0xF7A;
	s5 =	simm.s32 @!p2 $0x0  }
0x1d: {  	s5 =	simm.s32 @p1 $0x1;
	p0 =	seq.s32 s7, s2  }
0x1e: {  	s7 =	smul.u32 @!p0 $0xF7A, s2;
	p2 =	seq.s32 @!p0 s5, $0x0  }
0x1f: {  	s9 =	smul.u32 $0xF7A, s1;
	s8 =	simm.s32 @!p0 $0x1BF5;
	p2 =	por !p2, p0  }
0x20: {  	[sflag:s8] =	ssyncset.s32 @!p0 $0xFFFFF086;
	s6 =	sadd.s32 @!p0 s3, s7;
	s7 =	simm.s32 @!p0 $0x108  }
0x21: {  	s3 =	sadd.s32 s3, s9;
	s6 =	sadd.s32 @!p0 $0x88, s6;
	s7 =	simm.s32 @p2 $0x1082  }
0x22: {  	[simem:s7], [sflag:s8] =	dma.local @!p0 [hbm:s6], $0xF7A  }
0x23: {  	s9 =	sor.u32 $0xD0000000, s2;
	s6 =	simm.s32 $0x108;
	_ =	swait.ge @!p0 [sflag:s8], $0x0  }
0x24: {  	s3 =	sadd.s32 $0x88, s3;
	s6 =	simm.s32 @!p1 $0x1082;
	[sflag:s4] =	ssyncset.s32 $0xFFFFF086  }
0x25: {  	[simem:s6], [sflag:s4] =	dma.local [hbm:s3], $0xF7A  }
0x26: {  	[smem:$0x3F8C] =	sst s1;
	(tag) =	ssettag s2;
	_ =	strace s9  }
0x27: {  	s1 =	sld [smem:$0x3F9C]  }
0x28: {  	s2 =	sld [smem:$0x3F9D]  }
0x29: {  	s4 =	sld [smem:$0x3F9F]  }
0x2a: {  	p0 =	seq.s32 s5, $0x0;
	s5 =	sld [smem:$0x3FA0]  }
0x2b: {  	s6 =	sld [smem:$0x3FA1]  }
0x2c: {  	s7 =	sld [smem:$0x3FA2]  }
0x2d: {  	s3 =	simm.s32 $0x108;
	s8 =	sld [smem:$0x3FA3]  }
0x2e: {  	s3 =	simm.s32 @!p0 $0x1082;
	s9 =	sld [smem:$0x3FA4]  }
0x2f: {  	lr =	sadd.s32 s0, s3;
	s0 =	sld [smem:$0x3F9B]  }
0x30: {  	s3 =	sld [smem:$0x3F9E]  }
0x31: {  	[smem:$0x3FA7] =	sst s10  }
0x32: {  	s10 =	sld [smem:$0x3FA5];
	_ =	sdelay $0x3  }
0x33: {  	p0 =	seq.s32 s10, $0x1;
	s10 =	sld [smem:$0x3FA7];
	_ =	sdelay $0x3  }
0x34: {  	[smem:$0x3FA7] =	sst s10  }
0x35: {  	s10 =	sld [smem:$0x3FA6];
	_ =	sdelay $0x3  }
0x36: {  	p1 =	seq.s32 s10, $0x1;
	s10 =	sld [smem:$0x3FA7];
	_ =	sdelay $0x3  }
0x37: {  	[smem:$0x3FA7] =	sst s10  }
0x38: {  	s10 =	sld [smem:$0x3FA8]  }
0x39: {  	_ = 	snop;
	(pc) =	sbr.ind lr, $3  }
0x3a: {  	_ = 	snop  }
0x3b: {  	_ = 	snop  }
0x3c: {  	p2 =	seq.s32 s10, $0x1;
	s10 =	sld [smem:$0x3FA7]  }
0x3d: {  	_ =	shalt  }
0x3e: {  	_ =	shalt  }
0x3f: {  	_ =	shalt  }
0x40: {  	_ =	shalt  }
0x41: {  	_ =	shalt  }
0x42: {  	_ =	shalt  }
0x43: {  	_ =	shalt  }
0x44: {  	_ =	shalt  }
0x45: {  	_ =	shalt  }
0x46: {  	_ =	shalt  }
0x47: {  	_ =	shalt  }
0x48: {  	_ =	shalt  }
0x49: {  	_ =	shalt  }
0x4a: {  	_ =	shalt  }
0x4b: {  	_ =	shalt  }
0x4c: {  	_ =	shalt  }
0x4d: {  	_ =	shalt  }
0x4e: {  	_ =	shalt  }
0x4f: {  	_ =	shalt  }
0x50: {  	_ =	shalt  }
0x51: {  	_ =	shalt  }
0x52: {  	_ =	shalt  }
0x53: {  	_ =	shalt  }
0x54: {  	_ =	shalt  }
0x55: {  	_ =	shalt  }
0x56: {  	_ =	shalt  }
0x57: {  	_ =	shalt  }
0x58: {  	_ =	shalt  }
0x59: {  	_ =	shalt  }
0x5a: {  	_ =	shalt  }
0x5b: {  	_ =	shalt  }
0x5c: {  	_ =	shalt  }
0x5d: {  	_ =	shalt  }
0x5e: {  	_ =	shalt  }
0x5f: {  	_ =	shalt  }
0x60: {  	_ =	shalt  }
0x61: {  	_ =	shalt  }
0x62: {  	_ =	shalt  }
0x63: {  	_ =	shalt  }
0x64: {  	_ =	shalt  }
0x65: {  	_ =	shalt  }
0x66: {  	_ =	shalt  }
0x67: {  	_ =	shalt  }
0x68: {  	_ =	shalt  }
0x69: {  	_ =	shalt  }
0x6a: {  	_ =	shalt  }
0x6b: {  	_ =	shalt  }
0x6c: {  	_ =	shalt  }
0x6d: {  	_ =	shalt  }
0x6e: {  	_ =	shalt  }
0x6f: {  	_ =	shalt  }
0x70: {  	_ =	shalt  }
0x71: {  	_ =	shalt  }
0x72: {  	_ =	shalt  }
0x73: {  	_ =	shalt  }
0x74: {  	_ =	shalt  }
0x75: {  	_ =	shalt  }
0x76: {  	_ =	shalt  }
0x77: {  	_ =	shalt  }
0x78: {  	_ =	shalt  }
0x79: {  	_ =	shalt  }
0x7a: {  	_ =	shalt  }
0x7b: {  	_ =	shalt  }
0x7c: {  	_ =	shalt  }
0x7d: {  	_ =	shalt  }
0x7e: {  	_ =	shalt  }
0x7f: {  	_ =	shalt  }
0x80: {  	_ =	shalt  }
0x81: {  	_ =	shalt  }
0x82: {  	_ =	shalt  }
0x83: {  	_ =	shalt  }
0x84: {  	_ =	shalt  }
0x85: {  	_ =	shalt  }
0x86: {  	_ =	shalt  }
0x87: {  	_ =	shalt  }
.Lfunc_end0:
.L_simem_size_0:
called_computation.1_lowered:
.L_overlay_start_0:
0x88: {  	s2 =	sld [smem:$0x3FD9]  }
0x89: {  	s3 =	sld [smem:$0x3FFE];
	_ =	sdelay $0x1  }
0x8a: {  	s1 =	srdreg.scid  }
0x8b: {  	s0 =	sand.u32 $0x1, s1  }
0x8c: {  	s17 =	sshll.u32 s0, $0xA;
	s2 =	sadd.s32 s3, s2  }
0x8d: {  	s2 =	sadd.s32 s2, s17  }
0x8e: {  	[smem:$0x3FB3] =	sst s2  }
0x8f: {  	_ = 	snop  }
0x90: {  	(tm) =	ssettm $0x1  }
0x91: {  	s18 =	sld [smem:$0x3FFB];
	_ =	sdelay $0x3  }
0x92: {  	_ =	strace s18  }
0x93: {  	s2 =	sld [smem:$0x3FFC];
	_ =	sdelay $0x3  }
0x94: {  	_ =	strace s2  }
0x95: {  	s2 =	sld [smem:$0x3FFD];
	_ =	sdelay $0x3  }
0x96: {  	_ =	strace s2  }
0x97: {  	_ =	strace $0x8FFFFFFF  }
0x98: {  	s19 =	sld [smem:$0x3FDB];
	_ =	sdelay $0x1  }
0x99: {  	s20 =	simm.s32 $_scs_section_size  }
0x9a: {  	s4 =	simm.s32 $_size__tile_overlayer_lowered;
	s5 =	simm.s32 $_tile_overlayer_lowered  }
0x9b: {  	s6 =	simm.s32 $0x1BFF;
	s21 =	sshll.u32 s5, $0x1;
	s3 =	sadd.s32 s20, s19  }
0x9c: {  	s22 =	simm.s32 $0x0;
	s4 =	sshll.u32 s4, $0x1;
	s5 =	sadd.s32 s21, s3  }
0x9d: {  	[timem:s22], [sflag:s6] =	dma.local [hbm:s5], s4  }
0x9e: {  	_ =	swait.ge [sflag:s6], s4  }
0x9f: {  	s4 =	ssub.s32 $0x0, s4;
	[sflag:s6] =	ssyncset.done $0x0  }
0xa0: {  	[sflag:s6] =	ssyncadd.s32 s4;
	_ =	sdelay $0x1  }
0xa1: {  	s23 =	simm.s32 $0x1B8B  }
0xa2: {  	_ =	swait.ge [sflag:s23], $0x1  }
0xa3: {  	[sflag:s23] =	ssyncset.done $0x0  }
0xa4: {  	[sflag:s23] =	ssyncadd.s32 $0xFFFFFFFF  }
0xa5: {  	s4 =	sld [smem:$0x0]  }
0xa6: {  	s5 =	sand.u32 $0xFFFFFFFE, s1  }
0xa7: {  	p0 =	sne.s32 s1, s5  }
0xa8: {  	s5 =	sshll.u32 @p0 s5, $0xE  }
0xa9: {  	s5 =	sadd.s32 @p0 $0x11B8D, s5;
	s6 =	sshll.u32 @p0 s4, $0x11  }
0xaa: {  	s5 =	sor.u32 @p0 s6, s5  }
0xab: {  	[sflag:s5] =	ssyncadd.remote.s32 @p0 $0x1;
	_ =	sdelay $0x1  }
0xac: {  	s5 =	simm.s32 @p0 $0x1B8D  }
0xad: {  	_ =	swait.eq @p0 [sflag:s5], $0x1  }
0xae: {  	[sflag:s5] =	ssyncadd.s32 @p0 $0xFFFFFFFF  }
0xaf: {  	s6 =	sshll.u32 @!p0 s1, $0xE  }
0xb0: {  	s6 =	sor.u32 @!p0 $0x4000, s6;
	s5 =	simm.s32 @!p0 $0x1B8D  }
0xb1: {  	s4 =	sshll.u32 @!p0 s4, $0x11;
	s6 =	sadd.s32 @!p0 $0x11B8D, s6;
	_ =	swait.eq @!p0 [sflag:s5], $0x1  }
0xb2: {  	s4 =	sor.u32 @!p0 s4, s6;
	[sflag:s5] =	ssyncadd.s32 @!p0 $0xFFFFFFFF  }
0xb3: {  	s25 =	simm.s32 $0x1B8E;
	s24 =	sld [smem:$0x3FFE];
	[sflag:s4] =	ssyncadd.remote.s32 @!p0 $0x1  }
0xb4: {  	s26 =	simm.s32 $execute0_lowered;
	[smem:$0x3FD2] =	sst s25  }
0xb5: {  	s5 =	sshll.u32 s26, $0x1;
	_ =	strace $0x80000049;
	[dreg:$0x1] =	wrdreg $0xFFFFFFFF  }
0xb6: {  	s28 =	simm.s32 $_size_execute0_lowered;
	s3 =	sadd.s32 s3, s5;
	[dreg:$0x0] =	wrdreg $0x0  }
0xb7: {  	s5 =	sshll.u32 s28, $0x1;
	[dreg:$0x2] =	wrdreg s3  }
0xb8: {  	[dreg:$0x3] =	wrdreg s5  }
0xb9: {  	[dreg:$0x4] =	wrdreg $0xC0  }
0xba: {  	_ =	task [dreg:s22], $0x5FFFF  }
0xbb: {  	[dreg:$0x1] =	wrdreg $0xFFFFFFFF  }
0xbc: {  	[dreg:$0x0] =	wrdreg $0x60  }
0xbd: {  	[dreg:$0x2] =	wrdreg s24  }
0xbe: {  	[dreg:$0x3] =	wrdreg $0xA  }
0xbf: {  	_ =	task.clear_ibuf [dreg:s22], $0x4FFFF;
	_ =	strace $0x90000049  }
0xc0: {  	s29 =	simm.s32 $0xA;
	_ =	strace $0x8000004B  }
0xc1: {  	_ =	swait.ge [sflag:s29], $0x1  }
0xc2: {  	[sflag:s29] =	ssyncadd.s32 $0xFFFFFFFF  }
0xc3: {  	_ =	strace $0x9000004B  }
0xc4: {  	_ =	sfence  }
0xc5: {  	s30 =	sld [smem:$0x0];
	_ =	sdelay $0x2  }
0xc6: {  	s31 =	sshll.u32 s1, $0xD;
	s1 =	sshrl.u32 s1, $0x2  }
0xc7: {  	s4 =	sand.u32 $0x4000, s31;
	s1 =	sadd.s32 s1, s30  }
0xc8: {  	s0 =	sor.u32 s4, s0;
	s1 =	sshll.u32 s1, $0x11  }
0xc9: {  	s0 =	sor.u32 s1, s0  }
0xca: {  	s0 =	sadd.s32 $0x8F2B, s0  }
0xcb: {  	[sflag:s0] =	ssyncadd.remote.s32 $0x1  }
0xcc: {  	_ =	sfence.sel $0xFFFF  }
0xcd: {  	[dreg:$0x0] =	wrdreg $0xFFFFFFFF;
	(pc) =	sbr.abs _section_cstart, $3  }
0xce: {  	[dreg:$0x1] =	wrdreg $0xFFFFFFFF  }
0xcf: {  	_ =	task.clear_ibuf [dreg:s22], $0x2FFFF;
	_ =	strace $0x9FFFFFFF  }
0xd0: {  	(tm) =	ssettm $0x7FFFFFFF  }
0xd1: {  	_ =	shalt  }
tec
execute0_lowered:
.L_overlay_start_1:
0x0: {  	(tag) =	ssettag $0x1  }
0x1: {  	s4 =	rddreg [dreg:$0x0]  }
0x2: {  	s0 =	rddreg [dreg:$0x1]  }
0x3: {  	s3 =	srdreg.scid;
	s1 =	stileid.u32  }
0x4: {  	s2 =	simm.s32 $0x0;
	s9 =	simm.s32 $0xA00;
	s10 =	simm.s32 $0x4A00  }
0x5: {  	s11 =	simm.s32 $0x1;
	s12 =	simm.s32 $0x2;
	s5 =	sand.u32 $0x1, s3  }
0x6: {  	s29 =	sshll.u32 s1, $0x1;
	[smem:$0x7FF] =	sst s2;
	s7 =	smul.u32 $0x14000, s1  }
0x7: {  	s3 =	sor.u32 s5, s29;
	s8 =	ssub.s32 $0x2, s5;
	s5 =	smul.u32 $0xA000, s5  }
0x8: {  	s13 =	simm.s32 $0x0;
	_ =	strace $0x8000004A;
	s6 =	smul.u32 $0xA00, s3  }
0x9: {  	s3 =	sadd.s32 $0x246800, s4;
	s7 =	sadd.s32 s7, s4;
	s30 =	sshrl.u32 s8, $0x1  }
0xa: {  	s8 =	ssub.s32 s8, s30;
	s31 =	sadd.s32 s5, s7;
	s6 =	sshrl.u32 s6, $0x3  }
0xb: {  	s7 =	simm.s32 $0x3;
	s5 =	smax.u32 s8, $0x1;
	s6 =	sadd.s32 s6, s4  }
0xc: {  	s8 =	simm.s32 $0x80;
	s4 =	sadd.s32 $0x244000, s6;
	s6 =	sadd.s32 $0x257000, s31  }
.LBB2_1:
0xd: {  	[tilespmem:s2], [sflag:$0x3] =	stream.linear.gather [hbm4b:s4+s2], $0xA00, $0x38;
	[tilespmem:$0x8A00] =	vst v63  }
0xe: {  	_ =	swait.ge [sflag:s7], $0xA00  }
0xf: {  	[sflag:s7] =	ssyncset.done $0x0  }
0x10: {  	s14 =	simm.s32 $0x0;
	[sflag:s7] =	ssyncadd.s32 $0xFFFFF600  }
0x11: {  	[tilespmem:s9], [sflag:$0x1] =	stream.indirect.gather [hbm4b:s3+s8], $0x80, s14, s8, $0xb8;
	[tilespmem:$0x8A00] =	vst v63  }
0x12: {  	s30 =	simm.s32 $0x80  }
0x13: {  	[tilespmem:s10], [sflag:$0x2] =	stream.indirect.gather [hbm4b:s3+s8], $0x80, s30, s8, $0xb8;
	[tilespmem:$0x8A00] =	vst v63  }
0x14: {  	_ =	swait.ge [sflag:s11], $0x4000  }
0x15: {  	[sflag:s11] =	ssyncset.done $0x0  }
0x16: {  	s31 =	sadd.s32 $0xFFFFF800, s6;
	[sflag:s11] =	ssyncadd.s32 $0xFFFFC000  }
0x17: {  	[hbm4b:s31+s2] =	stream.linear.scatter [tilespmem:s9], [sflag:$0x3], $0x4000, $0x38;
	[tilespmem:$0x8A00] =	vst v63  }
0x18: {  	_ =	swait.ge [sflag:s7], $0x4000  }
0x19: {  	[sflag:s7] =	ssyncset.done $0x0  }
0x1a: {  	[sflag:s7] =	ssyncadd.s32 $0xFFFFC000  }
0x1b: {  	_ =	swait.ge [sflag:s12], $0x4000  }
0x1c: {  	[sflag:s12] =	ssyncset.done $0x0  }
0x1d: {  	[sflag:s12] =	ssyncadd.s32 $0xFFFFC000  }
0x1e: {  	[hbm4b:s6+s2] =	stream.linear.scatter [tilespmem:s10], [sflag:$0x3], $0x4000, $0x38;
	[tilespmem:$0x8A00] =	vst v63  }
0x1f: {  	s15 =	simm.s32 $0x400;
	_ =	swait.ge [sflag:s7], $0x4000  }
0x20: {  	s16 =	simm.s32 $0x800;
	s14 =	sadd.s32 $0x1000, s6;
	[sflag:s7] =	ssyncset.done $0x0  }
.LBB2_2:
0x21: {  	s17 =	sshra.s32 s15, $0x2  }
0x22: {  	[sflag:s7] =	ssyncadd.s32 $0xFFFFC000;
	s15 =	smov.u32 s16;
	s18 =	sadd.s32 $0x400, s16  }
0x23: {  	[tilespmem:s9], [sflag:$0x1] =	stream.indirect.gather [hbm4b:s3+s8], $0x80, s17, s8, $0xb8;
	[tilespmem:$0x8A00] =	vst v63  }
0x24: {  	p0 =	sne.s32 s16, $0x2400;
	s16 =	sadd.s32 $0x80, s17  }
0x25: {  	[tilespmem:s10], [sflag:$0x2] =	stream.indirect.gather [hbm4b:s3+s8], $0x80, s16, s8, $0xb8;
	[tilespmem:$0x8A00] =	vst v63  }
0x26: {  	_ =	swait.ge [sflag:s11], $0x4000  }
0x27: {  	[sflag:s11] =	ssyncset.done $0x0  }
0x28: {  	s16 =	sadd.s32 $0xFFFFF800, s14;
	[sflag:s11] =	ssyncadd.s32 $0xFFFFC000  }
0x29: {  	[hbm4b:s16+s2] =	stream.linear.scatter [tilespmem:s9], [sflag:$0x3], $0x4000, $0x38;
	[tilespmem:$0x8A00] =	vst v63  }
0x2a: {  	_ =	swait.ge [sflag:s7], $0x4000  }
0x2b: {  	[sflag:s7] =	ssyncset.done $0x0  }
0x2c: {  	[sflag:s7] =	ssyncadd.s32 $0xFFFFC000  }
0x2d: {  	_ =	swait.ge [sflag:s12], $0x4000  }
.Ltmp0:
0x2e: {  	[sflag:s12] =	ssyncset.done $0x0;
	(pc) =	sbr.rel @p0 .LBB2_2-.Ltmp0, $4  }
0x2f: {  	[sflag:s12] =	ssyncadd.s32 $0xFFFFC000  }
0x30: {  	[hbm4b:s14+s2] =	stream.linear.scatter [tilespmem:s10], [sflag:$0x3], $0x4000, $0x38;
	[tilespmem:$0x8A00] =	vst v63  }
0x31: {  	_ =	swait.ge [sflag:s7], $0x4000  }
0x32: {  	s16 =	smov.u32 s18;
	s14 =	sadd.s32 $0x1000, s14;
	[sflag:s7] =	ssyncset.done $0x0  }
0x33: {  	s15 =	sshra.s32 s15, $0x2;
	[sflag:s7] =	ssyncadd.s32 $0xFFFFC000  }
0x34: {  	[tilespmem:s9], [sflag:$0x1] =	stream.indirect.gather [hbm4b:s3+s8], $0x80, s15, s8, $0xb8;
	[tilespmem:$0x8A00] =	vst v63  }
0x35: {  	s15 =	sadd.s32 $0x80, s15  }
0x36: {  	[tilespmem:s10], [sflag:$0x2] =	stream.indirect.gather [hbm4b:s3+s8], $0x80, s15, s8, $0xb8;
	[tilespmem:$0x8A00] =	vst v63  }
0x37: {  	_ =	swait.ge [sflag:s11], $0x4000  }
0x38: {  	[sflag:s11] =	ssyncset.done $0x0  }
0x39: {  	s31 =	sadd.s32 $0xFFFFF800, s14;
	[sflag:s11] =	ssyncadd.s32 $0xFFFFC000  }
0x3a: {  	[hbm4b:s31+s2] =	stream.linear.scatter [tilespmem:s9], [sflag:$0x3], $0x4000, $0x38;
	[tilespmem:$0x8A00] =	vst v63  }
0x3b: {  	_ =	swait.ge [sflag:s7], $0x4000  }
0x3c: {  	[sflag:s7] =	ssyncset.done $0x0  }
0x3d: {  	[sflag:s7] =	ssyncadd.s32 $0xFFFFC000  }
0x3e: {  	s13 =	sadd.s32 $0x1, s13;
	_ =	swait.ge [sflag:s12], $0x4000  }
0x3f: {  	p0 =	sne.s32 s13, s5;
	[sflag:s12] =	ssyncset.done $0x0  }
.Ltmp1:
0x40: {  	[sflag:s12] =	ssyncadd.s32 $0xFFFFC000;
	(pc) =	sbr.rel @p0 .LBB2_1-.Ltmp1, $4  }
0x41: {  	[hbm4b:s14+s2] =	stream.linear.scatter [tilespmem:s10], [sflag:$0x3], $0x4000, $0x38;
	[tilespmem:$0x8A00] =	vst v63  }
0x42: {  	_ =	swait.ge [sflag:s7], $0x4000  }
0x43: {  	[sflag:s7] =	ssyncset.done $0x0  }
0x44: {  	[sflag:s7] =	ssyncadd.s32 $0xFFFFC000  }
0x45: {  	_ =	sfence.sel $0x180000  }
0x46: {  	[bflag:$0x0] =	sbarrier.arrive $0xFFFF  }
0x47: {  	p0 =	sne.s32 s1, $0x0;
	_ =	strace $0x9000004A  }
0x48: {  	s0 =	sadd.s32 @!p0 $0x100000, s0;
	[bflag:$0x2] =	sbarrier.arrive $0xFFFF  }
0x49: {  	[sflag:s0] =	ssyncadd.tile.s32 @!p0 $0x1;
	_ =	shalt  }
.Lfunc_end2:
_tile_overlayer_lowered:
.L_overlay_start_2:
0x4a: {  	(tag) =	ssettag $0x2  }
0x4b: {  	s0 =	rddreg [dreg:$0x0];
	s2 =	stileid.u32  }
0x4c: {  	s1 =	rddreg [dreg:$0x1];
	p0 =	sne.s32 s2, $0x0  }
0x4d: {  	s3 =	rddreg [dreg:$0x2];
	[bflag:$0x3] =	sbarrier.arrive $0xFFFF;
	s2 =	simm.s32 @!p0 $0x1C03  }
0x4e: {  	[timem:s3], [sflag:s2] =	dma.local @!p0 [hbm:s0], s1  }
0x4f: {  	s0 =	simm.s32 @!p0 $0x3  }
0x50: {  	_ =	swait.ge @!p0 [sflag:s0], s1  }
0x51: {  	s1 =	ssub.s32 @!p0 $0x0, s1;
	[sflag:s0] =	ssyncset.done @!p0 $0x0  }
0x52: {  	[sflag:s0] =	ssyncadd.s32 @!p0 s1  }
0x53: {  	[bflag:$0x3] =	sbarrier.arrive $0xFFFF  }
0x54: {  	_ =	shalt  }

// kernel: kernel.8.cloned.1.call-start
scs
__scs_entry_jumppad:
0x0: {  	(pc) =	sbr.rel $0x88, $3  }
0x1: {  	(tag) =	ssettag $0x0;
	lr =	simm.s32 $0x1  }
0x2: {  	[smem:$0x3F8C] =	sst lr;
	_ =	strace $0xD0000000  }
0x3: {  	_ = 	snop  }
0x4: {  	_ = 	snop  }
0x5: {  	_ = 	snop  }
0x6: {  	_ = 	snop  }
0x7: {  	_ = 	snop  }
__scs_overlays_trampoline_lowered:
0x8: {  	[smem:$0x3F9B] =	sst s0  }
0x9: {  	[smem:$0x3F9C] =	sst s1  }
0xa: {  	[smem:$0x3F9D] =	sst s2  }
0xb: {  	[smem:$0x3F9E] =	sst s3  }
0xc: {  	[smem:$0x3F9F] =	sst s4  }
0xd: {  	[smem:$0x3FA0] =	sst s5  }
0xe: {  	[smem:$0x3FA1] =	sst s6  }
0xf: {  	[smem:$0x3FA2] =	sst s7  }
0x10: {  	[smem:$0x3FA3] =	sst s8  }
0x11: {  	[smem:$0x3FA4] =	sst s9;
	s0 =	simm.s32 @!p0 $0x0  }
0x12: {  	s1 =	sld [smem:$0x3F8A];
	s0 =	simm.s32 @p0 $0x1  }
0x13: {  	[smem:$0x3FA5] =	sst s0;
	s0 =	simm.s32 @!p1 $0x0  }
0x14: {  	s2 =	sld [smem:$0x3F89];
	s0 =	simm.s32 @p1 $0x1  }
0x15: {  	[smem:$0x3FA6] =	sst s0;
	s0 =	simm.s32 @!p2 $0x0  }
0x16: {  	s3 =	sld [smem:$0x3FDB];
	s0 =	simm.s32 @p2 $0x1  }
0x17: {  	s4 =	simm.s32 $0x1BF5;
	[smem:$0x3FA8] =	sst s0  }
0x18: {  	s0 =	sld [smem:$0x3F8B];
	_ =	swait.ge [sflag:s4], $0x0  }
0x19: {  	s7 =	sld [smem:$0x3F8C]  }
0x1a: {  	s8 =	sadd.s32 $0xFFFFE003, lr  }
0x1b: {  	s9 =	sadd.s32 $0xFFFFFEF7, lr;
	s5 =	simm.s32 $0xFFFFFFFF;
	p2 =	slt.u32 s8, $0xFFFFF086  }
0x1c: {  	p1 =	slt.u32 s9, $0xF7A;
	s5 =	simm.s32 @!p2 $0x0  }
0x1d: {  	s5 =	simm.s32 @p1 $0x1;
	p0 =	seq.s32 s7, s2  }
0x1e: {  	s7 =	smul.u32 @!p0 $0xF7A, s2;
	p2 =	seq.s32 @!p0 s5, $0x0  }
0x1f: {  	s9 =	smul.u32 $0xF7A, s1;
	s8 =	simm.s32 @!p0 $0x1BF5;
	p2 =	por !p2, p0  }
0x20: {  	[sflag:s8] =	ssyncset.s32 @!p0 $0xFFFFF086;
	s6 =	sadd.s32 @!p0 s3, s7;
	s7 =	simm.s32 @!p0 $0x108  }
0x21: {  	s3 =	sadd.s32 s3, s9;
	s6 =	sadd.s32 @!p0 $0x88, s6;
	s7 =	simm.s32 @p2 $0x1082  }
0x22: {  	[simem:s7], [sflag:s8] =	dma.local @!p0 [hbm:s6], $0xF7A  }
0x23: {  	s9 =	sor.u32 $0xD0000000, s2;
	s6 =	simm.s32 $0x108;
	_ =	swait.ge @!p0 [sflag:s8], $0x0  }
0x24: {  	s3 =	sadd.s32 $0x88, s3;
	s6 =	simm.s32 @!p1 $0x1082;
	[sflag:s4] =	ssyncset.s32 $0xFFFFF086  }
0x25: {  	[simem:s6], [sflag:s4] =	dma.local [hbm:s3], $0xF7A  }
0x26: {  	[smem:$0x3F8C] =	sst s1;
	(tag) =	ssettag s2;
	_ =	strace s9  }
0x27: {  	s1 =	sld [smem:$0x3F9C]  }
0x28: {  	s2 =	sld [smem:$0x3F9D]  }
0x29: {  	s4 =	sld [smem:$0x3F9F]  }
0x2a: {  	p0 =	seq.s32 s5, $0x0;
	s5 =	sld [smem:$0x3FA0]  }
0x2b: {  	s6 =	sld [smem:$0x3FA1]  }
0x2c: {  	s7 =	sld [smem:$0x3FA2]  }
0x2d: {  	s3 =	simm.s32 $0x108;
	s8 =	sld [smem:$0x3FA3]  }
0x2e: {  	s3 =	simm.s32 @!p0 $0x1082;
	s9 =	sld [smem:$0x3FA4]  }
0x2f: {  	lr =	sadd.s32 s0, s3;
	s0 =	sld [smem:$0x3F9B]  }
0x30: {  	s3 =	sld [smem:$0x3F9E]  }
0x31: {  	[smem:$0x3FA7] =	sst s10  }
0x32: {  	s10 =	sld [smem:$0x3FA5];
	_ =	sdelay $0x3  }
0x33: {  	p0 =	seq.s32 s10, $0x1;
	s10 =	sld [smem:$0x3FA7];
	_ =	sdelay $0x3  }
0x34: {  	[smem:$0x3FA7] =	sst s10  }
0x35: {  	s10 =	sld [smem:$0x3FA6];
	_ =	sdelay $0x3  }
0x36: {  	p1 =	seq.s32 s10, $0x1;
	s10 =	sld [smem:$0x3FA7];
	_ =	sdelay $0x3  }
0x37: {  	[smem:$0x3FA7] =	sst s10  }
0x38: {  	s10 =	sld [smem:$0x3FA8]  }
0x39: {  	_ = 	snop;
	(pc) =	sbr.ind lr, $3  }
0x3a: {  	_ = 	snop  }
0x3b: {  	_ = 	snop  }
0x3c: {  	p2 =	seq.s32 s10, $0x1;
	s10 =	sld [smem:$0x3FA7]  }
0x3d: {  	_ =	shalt  }
0x3e: {  	_ =	shalt  }
0x3f: {  	_ =	shalt  }
0x40: {  	_ =	shalt  }
0x41: {  	_ =	shalt  }
0x42: {  	_ =	shalt  }
0x43: {  	_ =	shalt  }
0x44: {  	_ =	shalt  }
0x45: {  	_ =	shalt  }
0x46: {  	_ =	shalt  }
0x47: {  	_ =	shalt  }
0x48: {  	_ =	shalt  }
0x49: {  	_ =	shalt  }
0x4a: {  	_ =	shalt  }
0x4b: {  	_ =	shalt  }
0x4c: {  	_ =	shalt  }
0x4d: {  	_ =	shalt  }
0x4e: {  	_ =	shalt  }
0x4f: {  	_ =	shalt  }
0x50: {  	_ =	shalt  }
0x51: {  	_ =	shalt  }
0x52: {  	_ =	shalt  }
0x53: {  	_ =	shalt  }
0x54: {  	_ =	shalt  }
0x55: {  	_ =	shalt  }
0x56: {  	_ =	shalt  }
0x57: {  	_ =	shalt  }
0x58: {  	_ =	shalt  }
0x59: {  	_ =	shalt  }
0x5a: {  	_ =	shalt  }
0x5b: {  	_ =	shalt  }
0x5c: {  	_ =	shalt  }
0x5d: {  	_ =	shalt  }
0x5e: {  	_ =	shalt  }
0x5f: {  	_ =	shalt  }
0x60: {  	_ =	shalt  }
0x61: {  	_ =	shalt  }
0x62: {  	_ =	shalt  }
0x63: {  	_ =	shalt  }
0x64: {  	_ =	shalt  }
0x65: {  	_ =	shalt  }
0x66: {  	_ =	shalt  }
0x67: {  	_ =	shalt  }
0x68: {  	_ =	shalt  }
0x69: {  	_ =	shalt  }
0x6a: {  	_ =	shalt  }
0x6b: {  	_ =	shalt  }
0x6c: {  	_ =	shalt  }
0x6d: {  	_ =	shalt  }
0x6e: {  	_ =	shalt  }
0x6f: {  	_ =	shalt  }
0x70: {  	_ =	shalt  }
0x71: {  	_ =	shalt  }
0x72: {  	_ =	shalt  }
0x73: {  	_ =	shalt  }
0x74: {  	_ =	shalt  }
0x75: {  	_ =	shalt  }
0x76: {  	_ =	shalt  }
0x77: {  	_ =	shalt  }
0x78: {  	_ =	shalt  }
0x79: {  	_ =	shalt  }
0x7a: {  	_ =	shalt  }
0x7b: {  	_ =	shalt  }
0x7c: {  	_ =	shalt  }
0x7d: {  	_ =	shalt  }
0x7e: {  	_ =	shalt  }
0x7f: {  	_ =	shalt  }
0x80: {  	_ =	shalt  }
0x81: {  	_ =	shalt  }
0x82: {  	_ =	shalt  }
0x83: {  	_ =	shalt  }
0x84: {  	_ =	shalt  }
0x85: {  	_ =	shalt  }
0x86: {  	_ =	shalt  }
0x87: {  	_ =	shalt  }
.Lfunc_end0:
.L_simem_size_0:
called_computation_lowered:
.L_overlay_start_0:
0x88: {  	s2 =	sld [smem:$0x3FD9]  }
0x89: {  	s3 =	sld [smem:$0x3FFE];
	_ =	sdelay $0x1  }
0x8a: {  	s1 =	srdreg.scid  }
0x8b: {  	s0 =	sand.u32 $0x1, s1  }
0x8c: {  	s16 =	sshll.u32 s0, $0xA;
	s2 =	sadd.s32 s3, s2  }
0x8d: {  	s2 =	sadd.s32 s2, s16  }
0x8e: {  	[smem:$0x3FB3] =	sst s2  }
0x8f: {  	_ = 	snop  }
0x90: {  	(tm) =	ssettm $0x1  }
0x91: {  	s17 =	sld [smem:$0x3FFB];
	_ =	sdelay $0x3  }
0x92: {  	_ =	strace s17  }
0x93: {  	s2 =	sld [smem:$0x3FFC];
	_ =	sdelay $0x3  }
0x94: {  	_ =	strace s2  }
0x95: {  	s2 =	sld [smem:$0x3FFD];
	_ =	sdelay $0x3  }
0x96: {  	_ =	strace s2  }
0x97: {  	_ =	strace $0x8FFFFFFF  }
0x98: {  	s18 =	sld [smem:$0x3FDB];
	_ =	sdelay $0x1  }
0x99: {  	s19 =	simm.s32 $_scs_section_size  }
0x9a: {  	s4 =	simm.s32 $_size__tile_overlayer_lowered;
	s5 =	simm.s32 $_tile_overlayer_lowered  }
0x9b: {  	s22 =	simm.s32 $0x1BFF;
	s21 =	sshll.u32 s5, $0x1;
	s2 =	sadd.s32 s19, s18  }
0x9c: {  	s6 =	simm.s32 $0x0;
	s20 =	sshll.u32 s4, $0x1;
	s4 =	sadd.s32 s21, s2  }
0x9d: {  	[timem:s6], [sflag:s22] =	dma.local [hbm:s4], s20  }
0x9e: {  	_ =	swait.ge [sflag:s22], s20  }
0x9f: {  	s3 =	ssub.s32 $0x0, s20;
	[sflag:s22] =	ssyncset.done $0x0  }
0xa0: {  	[sflag:s22] =	ssyncadd.s32 s3;
	_ =	sdelay $0x1  }
0xa1: {  	s23 =	simm.s32 $0x1B8B  }
0xa2: {  	_ =	swait.ge [sflag:s23], $0x1  }
0xa3: {  	[sflag:s23] =	ssyncset.done $0x0  }
0xa4: {  	s25 =	simm.s32 $0x1B8E;
	s24 =	sld [smem:$0x3FFE];
	[sflag:s23] =	ssyncadd.s32 $0xFFFFFFFF  }
0xa5: {  	s26 =	simm.s32 $execute0_lowered;
	[smem:$0x3FD2] =	sst s25  }
0xa6: {  	s4 =	sshll.u32 s26, $0x1;
	_ =	strace $0x80000046;
	[dreg:$0x1] =	wrdreg $0xFFFFFFFF  }
0xa7: {  	s28 =	simm.s32 $_size_execute0_lowered;
	s2 =	sadd.s32 s2, s4;
	[dreg:$0x0] =	wrdreg $0x0  }
0xa8: {  	s4 =	sshll.u32 s28, $0x1;
	[dreg:$0x2] =	wrdreg s2  }
0xa9: {  	[dreg:$0x3] =	wrdreg s4  }
0xaa: {  	[dreg:$0x4] =	wrdreg $0xC0  }
0xab: {  	_ =	task [dreg:s6], $0x5FFFF  }
0xac: {  	[dreg:$0x1] =	wrdreg $0xFFFFFFFF  }
0xad: {  	[dreg:$0x0] =	wrdreg $0x60  }
0xae: {  	[dreg:$0x2] =	wrdreg s24  }
0xaf: {  	[dreg:$0x3] =	wrdreg $0x9  }
0xb0: {  	_ =	task.clear_ibuf [dreg:s6], $0x4FFFF;
	_ =	strace $0x90000046  }
0xb1: {  	s29 =	simm.s32 $0x9;
	_ =	strace $0x80000048  }
0xb2: {  	_ =	swait.ge [sflag:s29], $0x1  }
0xb3: {  	[sflag:s29] =	ssyncadd.s32 $0xFFFFFFFF  }
0xb4: {  	_ =	strace $0x90000048  }
0xb5: {  	_ =	sfence  }
0xb6: {  	s30 =	sld [smem:$0x0];
	_ =	sdelay $0x2  }
0xb7: {  	s31 =	sshll.u32 s1, $0xD;
	s1 =	sshrl.u32 s1, $0x2  }
0xb8: {  	s3 =	sand.u32 $0x4000, s31;
	s1 =	sadd.s32 s1, s30  }
0xb9: {  	s0 =	sor.u32 s3, s0;
	s1 =	sshll.u32 s1, $0x11  }
0xba: {  	s0 =	sor.u32 s1, s0  }
0xbb: {  	s0 =	sadd.s32 $0x8F2B, s0  }
0xbc: {  	[sflag:s0] =	ssyncadd.remote.s32 $0x1  }
0xbd: {  	_ =	sfence.sel $0xFFFF  }
0xbe: {  	[dreg:$0x0] =	wrdreg $0xFFFFFFFF;
	(pc) =	sbr.abs _section_cstart, $3  }
0xbf: {  	[dreg:$0x1] =	wrdreg $0xFFFFFFFF  }
0xc0: {  	_ =	task.clear_ibuf [dreg:s6], $0x2FFFF;
	_ =	strace $0x9FFFFFFF  }
0xc1: {  	(tm) =	ssettm $0x7FFFFFFF  }
tec
execute0_lowered:
.L_overlay_start_1:
0x0: {  	(tag) =	ssettag $0x1  }
0x1: {  	s5 =	rddreg [dreg:$0x0]  }
0x2: {  	s0 =	rddreg [dreg:$0x1];
	s3 =	srdreg.scid  }
0x3: {  	s2 =	simm.s32 $0x0;
	s1 =	stileid.u32;
	s11 =	simm.s32 $0x800  }
0x4: {  	s12 =	simm.s32 $0x4800;
	s13 =	simm.s32 $0x1;
	s14 =	simm.s32 $0x2  }
0x5: {  	s15 =	simm.s32 $0x0;
	s6 =	sand.u32 $0x1, s3;
	[smem:$0x7FF] =	sst s2  }
0x6: {  	s4 =	sshll.u32 s1, $0xC;
	s3 =	sadd.s32 $0x22000, s5;
	s9 =	sshll.u32 s1, $0x10  }
0x7: {  	s7 =	sshll.u32 s6, $0xB;
	_ =	strace $0x80000047;
	s8 =	ssub.s32 $0x2, s6  }
0x8: {  	s9 =	sadd.s32 s9, s5;
	s30 =	sshll.u32 s6, $0xF;
	s7 =	sor.u32 s7, s4  }
0x9: {  	s4 =	sadd.s32 $0x32000, s5;
	s10 =	sshrl.u32 s8, $0x1;
	s31 =	sadd.s32 s30, s9  }
0xa: {  	s9 =	simm.s32 $0x3;
	s7 =	sshrl.u32 s7, $0x3;
	s8 =	ssub.s32 s8, s10  }
0xb: {  	s10 =	simm.s32 $0x80;
	s7 =	sadd.s32 s7, s5;
	s6 =	smax.u32 s8, $0x1  }
0xc: {  	s8 =	sadd.s32 $0x44000, s31;
	s5 =	sadd.s32 $0x42000, s7;
	s7 =	sadd.s32 $0x144000, s31  }
.LBB2_1:
0xd: {  	[tilespmem:s2], [sflag:$0x3] =	stream.linear.gather [hbm4b:s5+s2], $0x800, $0x38;
	[tilespmem:$0x8800] =	vst v63  }
0xe: {  	_ =	swait.ge [sflag:s9], $0x800  }
0xf: {  	[sflag:s9] =	ssyncset.done $0x0  }
0x10: {  	[sflag:s9] =	ssyncadd.s32 $0xFFFFF800  }
0x11: {  	[tilespmem:s11], [sflag:$0x1] =	stream.indirect.gather [hbm4b:s3+s10], $0x80, s2, s10, $0xb8;
	[tilespmem:$0x8800] =	vst v63  }
0x12: {  	_ = 	snop  }
0x13: {  	[tilespmem:s12], [sflag:$0x2] =	stream.indirect.gather [hbm4b:s4+s10], $0x80, s2, s10, $0xb8;
	[tilespmem:$0x8800] =	vst v63  }
0x14: {  	_ =	swait.ge [sflag:s13], $0x4000  }
0x15: {  	[sflag:s13] =	ssyncset.done $0x0  }
0x16: {  	s16 =	sadd.s32 $0x0, s8;
	[sflag:s13] =	ssyncadd.s32 $0xFFFFC000  }
0x17: {  	[hbm4b:s16+s2] =	stream.linear.scatter [tilespmem:s11], [sflag:$0x3], $0x4000, $0x38;
	[tilespmem:$0x8800] =	vst v63  }
0x18: {  	_ =	swait.ge [sflag:s9], $0x4000  }
0x19: {  	[sflag:s9] =	ssyncset.done $0x0  }
0x1a: {  	[sflag:s9] =	ssyncadd.s32 $0xFFFFC000  }
0x1b: {  	_ =	swait.ge [sflag:s14], $0x4000  }
0x1c: {  	[sflag:s14] =	ssyncset.done $0x0  }
0x1d: {  	s31 =	sadd.s32 $0x0, s7;
	[sflag:s14] =	ssyncadd.s32 $0xFFFFC000  }
0x1e: {  	[hbm4b:s31+s2] =	stream.linear.scatter [tilespmem:s12], [sflag:$0x3], $0x4000, $0x38;
	[tilespmem:$0x8800] =	vst v63  }
0x1f: {  	_ =	swait.ge [sflag:s9], $0x4000  }
0x20: {  	s17 =	simm.s32 $0x0;
	s16 =	simm.s32 $0x800;
	[sflag:s9] =	ssyncset.done $0x0  }
.LBB2_2:
0x21: {  	p0 =	sne.s32 s16, $0x7800;
	[sflag:s9] =	ssyncadd.s32 $0xFFFFC000;
	s17 =	sadd.s32 $0x80, s17  }
0x22: {  	[tilespmem:s11], [sflag:$0x1] =	stream.indirect.gather [hbm4b:s3+s10], $0x80, s17, s10, $0xb8;
	[tilespmem:$0x8800] =	vst v63  }
0x23: {  	s18 =	smov.u32 s16;
	s16 =	sadd.s32 $0x800, s16  }
0x24: {  	[tilespmem:s12], [sflag:$0x2] =	stream.indirect.gather [hbm4b:s4+s10], $0x80, s17, s10, $0xb8;
	[tilespmem:$0x8800] =	vst v63  }
0x25: {  	_ =	swait.ge [sflag:s13], $0x4000  }
0x26: {  	[sflag:s13] =	ssyncset.done $0x0  }
0x27: {  	s19 =	sadd.s32 s18, s8;
	[sflag:s13] =	ssyncadd.s32 $0xFFFFC000  }
0x28: {  	[hbm4b:s19+s2] =	stream.linear.scatter [tilespmem:s11], [sflag:$0x3], $0x4000, $0x38;
	[tilespmem:$0x8800] =	vst v63  }
0x29: {  	_ =	swait.ge [sflag:s9], $0x4000  }
0x2a: {  	[sflag:s9] =	ssyncset.done $0x0  }
0x2b: {  	[sflag:s9] =	ssyncadd.s32 $0xFFFFC000  }
0x2c: {  	_ =	swait.ge [sflag:s14], $0x4000  }
.Ltmp0:
0x2d: {  	[sflag:s14] =	ssyncset.done $0x0;
	(pc) =	sbr.rel @p0 .LBB2_2-.Ltmp0, $4  }
0x2e: {  	s18 =	sadd.s32 s18, s7;
	[sflag:s14] =	ssyncadd.s32 $0xFFFFC000  }
0x2f: {  	[hbm4b:s18+s2] =	stream.linear.scatter [tilespmem:s12], [sflag:$0x3], $0x4000, $0x38;
	[tilespmem:$0x8800] =	vst v63  }
0x30: {  	_ =	swait.ge [sflag:s9], $0x4000  }
0x31: {  	[sflag:s9] =	ssyncset.done $0x0  }
0x32: {  	s15 =	sadd.s32 $0x1, s15  }
0x33: {  	p0 =	sne.s32 s15, s6  }
.Ltmp1:
0x34: {  	_ = 	snop;
	(pc) =	sbr.rel @p0 .LBB2_1-.Ltmp1, $2  }
0x35: {  	_ =	sdelay $0x2  }
0x36: {  	[sflag:s9] =	ssyncadd.s32 $0xFFFFC000  }
0x37: {  	_ =	sfence.sel $0x180000  }
0x38: {  	[bflag:$0x0] =	sbarrier.arrive $0xFFFF  }
0x39: {  	p0 =	sne.s32 s1, $0x0;
	_ =	strace $0x90000047  }
0x3a: {  	s0 =	sadd.s32 @!p0 $0x100000, s0;
	[bflag:$0x2] =	sbarrier.arrive $0xFFFF  }
0x3b: {  	[sflag:s0] =	ssyncadd.tile.s32 @!p0 $0x1;
	_ =	shalt  }
.Lfunc_end2:
_tile_overlayer_lowered:
.L_overlay_start_2:
0x3c: {  	(tag) =	ssettag $0x2  }
0x3d: {  	s0 =	rddreg [dreg:$0x0];
	s2 =	stileid.u32  }
0x3e: {  	s1 =	rddreg [dreg:$0x1];
	p0 =	sne.s32 s2, $0x0  }
0x3f: {  	s3 =	rddreg [dreg:$0x2];
	[bflag:$0x3] =	sbarrier.arrive $0xFFFF;
	s2 =	simm.s32 @!p0 $0x1C03  }
0x40: {  	[timem:s3], [sflag:s2] =	dma.local @!p0 [hbm:s0], s1  }
0x41: {  	s0 =	simm.s32 @!p0 $0x3  }
0x42: {  	_ =	swait.ge @!p0 [sflag:s0], s1  }
0x43: {  	s1 =	ssub.s32 @!p0 $0x0, s1;
	[sflag:s0] =	ssyncset.done @!p0 $0x0  }
0x44: {  	[sflag:s0] =	ssyncadd.s32 @!p0 s1  }
0x45: {  	[bflag:$0x3] =	sbarrier.arrive $0xFFFF  }
0x46: {  	_ =	shalt  }

</sc_bundles>
